<compile_context>
chip_gen: v7x
topology: tpu7x:2x2x1
jax: 0.10.2.dev20260603
libtpu: 0.0.44.dev20260713+nightly
codegen_flags: <defaults>
</compile_context>

<pallas_src>
import functools

import jax
import jax.numpy as jnp
from jax import lax
from jax.experimental import pallas as pl
from jax.experimental.pallas import tpu as pltpu
from jax.experimental.pallas import tpu_sc as plsc

_NB = 10
_PF = 5


def _build_kernel(N, D, NC, NCH, CH):
    n_per_w = NCH * CH
    NB, PF = _NB, _PF
    assert NCH % NB == 0 and NCH >= 2 * NB

    mesh = plsc.VectorSubcoreMesh(core_axis_name="c", subcore_axis_name="s")

    @functools.partial(
        pl.kernel,
        mesh=mesh,
        out_type=jax.ShapeDtypeStruct((N, D), jnp.float32),
        scratch_types=[
            pltpu.VMEM((NCH, CH), jnp.int32),
            *[pltpu.VMEM((CH, D), jnp.float32) for _ in range(NB)],
            *[pltpu.SemaphoreType.DMA for _ in range(2 * NB)],
        ],
        compiler_params=pltpu.CompilerParams(use_tc_tiling_on_sc=False),
    )
    def k(idx_hbm, table_hbm, out_hbm, idx_v, *rest):
        bufs = rest[:NB]
        gsems = rest[NB:2 * NB]
        ssems = rest[2 * NB:]
        wid = lax.axis_index("s") * NC + lax.axis_index("c")
        base = wid * n_per_w
        pltpu.sync_copy(idx_hbm.at[wid], idx_v)

        def gather_start(c, s):
            pltpu.async_copy(table_hbm.at[idx_v.at[c]], bufs[s], gsems[s])

        def gather_wait(s):
            pltpu.make_async_copy(
                table_hbm.at[idx_v.at[0]], bufs[s], gsems[s]).wait()

        def scatter_start(c, s):
            pltpu.async_copy(
                bufs[s], out_hbm.at[pl.ds(base + c * CH, CH)], ssems[s])

        def scatter_wait(s):
            pltpu.make_async_copy(
                bufs[s], out_hbm.at[pl.ds(base, CH)], ssems[s]).wait()

        for c in range(PF):
            gather_start(c, c)
        for i in range(PF):
            gather_start(i + PF, i + PF)
            gather_wait(i)
            scatter_start(i, i)

        @pl.loop(PF, NCH - PF, step=NB)
        def _wave(w):
            for b in range(NB):
                i = w + b
                s = (PF + b) % NB
                sn = b
                scatter_wait(sn)
                gather_start(i + PF, sn)
                gather_wait(s)
                scatter_start(i, s)

        for i in range(NCH - PF, NCH):
            s = i % NB
            sn = (i + PF) % NB
            scatter_wait(sn)
            gather_wait(s)
            scatter_start(i, s)
        for i in range(NCH - PF, NCH):
            scatter_wait(i % NB)

    return k


def kernel(x, table):
    B, H = x.shape
    V, D = table.shape
    N = B * H

    info = plsc.get_sparse_core_info()
    NC, NS = info.num_cores, info.num_subcores
    NW = NC * NS
    CH = 128
    NCH = N // (NW * CH)
    assert NW * NCH * CH == N

    idx = x.reshape(NW, NCH, CH)
    out = _build_kernel(N, D, NC, NCH, CH)(idx, table)
    return out.reshape(B, H, D)

# --- scband reference (transcript-rebuilt; emitter-appended) ---
"""Pipeline reference for scband-embedder-17506286699017 (READ-ONLY COPY).

The authoritative reference and input builder live on the scoring server;
editing this copy changes nothing except your own understanding.
"""

import jax, jax.numpy as jnp
import numpy as np

VOCAB = 1000000
D_MODEL = 64
BATCH = 4096
HIST = 50

def setup_inputs(seed: int = 0) -> dict:
    key = jax.random.key(seed)
    k_idx, k_tab = jax.random.split(key)
    x = jax.random.randint(k_idx, (BATCH, HIST), 0, VOCAB, dtype=jnp.int64) if jax.config.jax_enable_x64 else jax.random.randint(k_idx, (BATCH, HIST), 0, VOCAB, dtype=jnp.int32)
    table = jax.random.normal(k_tab, (VOCAB, D_MODEL), dtype=jnp.float32)
    return {"x": x, "table": table}

def reference(x, table):
    # nn.Embedding lookup: gather rows of the table by index
    return jnp.take(table, x, axis=0)

if __name__ == "__main__":
    import jax
    _d = setup_inputs()
    print(jax.jit(kernel)(*tuple(_d.values())))

</pallas_src>

<mosaic_0001>
#map = affine_map<(d0, d1) -> (0, 0, 0)>
#map1 = affine_map<(d0, d1) -> (0, 0)>
module attributes {stable_mosaic.version = 14 : i64} {
  func.func @k(%arg0: i32, %arg1: i32, %arg2: memref<32x50x128xi32, #tpu.memory_space<hbm>>, %arg3: memref<1000000x64xf32, #tpu.memory_space<hbm>>, %arg4: memref<204800x64xf32, #tpu.memory_space<hbm>>, %arg5: memref<50x128xi32, #tpu.memory_space<vmem>>, %arg6: memref<128x64xf32, #tpu.memory_space<vmem>>, %arg7: memref<128x64xf32, #tpu.memory_space<vmem>>, %arg8: memref<128x64xf32, #tpu.memory_space<vmem>>, %arg9: memref<128x64xf32, #tpu.memory_space<vmem>>, %arg10: memref<128x64xf32, #tpu.memory_space<vmem>>, %arg11: memref<128x64xf32, #tpu.memory_space<vmem>>, %arg12: memref<128x64xf32, #tpu.memory_space<vmem>>, %arg13: memref<128x64xf32, #tpu.memory_space<vmem>>, %arg14: memref<128x64xf32, #tpu.memory_space<vmem>>, %arg15: memref<128x64xf32, #tpu.memory_space<vmem>>, %arg16: memref<!tpu.dma_semaphore, #tpu.memory_space<semaphore_mem>>, %arg17: memref<!tpu.dma_semaphore, #tpu.memory_space<semaphore_mem>>, %arg18: memref<!tpu.dma_semaphore, #tpu.memory_space<semaphore_mem>>, %arg19: memref<!tpu.dma_semaphore, #tpu.memory_space<semaphore_mem>>, %arg20: memref<!tpu.dma_semaphore, #tpu.memory_space<semaphore_mem>>, %arg21: memref<!tpu.dma_semaphore, #tpu.memory_space<semaphore_mem>>, %arg22: memref<!tpu.dma_semaphore, #tpu.memory_space<semaphore_mem>>, %arg23: memref<!tpu.dma_semaphore, #tpu.memory_space<semaphore_mem>>, %arg24: memref<!tpu.dma_semaphore, #tpu.memory_space<semaphore_mem>>, %arg25: memref<!tpu.dma_semaphore, #tpu.memory_space<semaphore_mem>>, %arg26: memref<!tpu.dma_semaphore, #tpu.memory_space<semaphore_mem>>, %arg27: memref<!tpu.dma_semaphore, #tpu.memory_space<semaphore_mem>>, %arg28: memref<!tpu.dma_semaphore, #tpu.memory_space<semaphore_mem>>, %arg29: memref<!tpu.dma_semaphore, #tpu.memory_space<semaphore_mem>>, %arg30: memref<!tpu.dma_semaphore, #tpu.memory_space<semaphore_mem>>, %arg31: memref<!tpu.dma_semaphore, #tpu.memory_space<semaphore_mem>>, %arg32: memref<!tpu.dma_semaphore, #tpu.memory_space<semaphore_mem>>, %arg33: memref<!tpu.dma_semaphore, #tpu.memory_space<semaphore_mem>>, %arg34: memref<!tpu.dma_semaphore, #tpu.memory_space<semaphore_mem>>, %arg35: memref<!tpu.dma_semaphore, #tpu.memory_space<semaphore_mem>>) attributes {dimension_semantics = [#tpu.dimension_semantics<core_parallel>, #tpu.dimension_semantics<subcore_parallel>], iteration_bounds = array<i64: 2, 16>, scalar_prefetch = 0 : i64, scratch_operands = 31 : i64, tpu.core_type = #tpu.core_type<sc_vector_subcore>, window_params = [{transform_indices = #map}, {transform_indices = #map1}, {transform_indices = #map1}]} {
    %mul3A = arith.constant 2 : i32
    %mul3A_0 = arith.muli %arg1, %mul3A : i32
    %add3A = arith.addi %mul3A_0, %arg0 : i32
    %mul3A_1 = arith.constant 6400 : i32
    %mul3A_2 = arith.muli %add3A, %mul3A_1 : i32
    "tpu.region"() ({
      %run_scoped3A = tpu.sem_alloc : memref<!tpu.dma_semaphore, #tpu.memory_space<semaphore_mem>>
      %dma_start3A_245 = arith.constant 0 : i32
      %dma_start3A_246 = arith.constant 0 : i32
      %dma_start3A_247 = tpu.memref_slice %arg2[%add3A, %dma_start3A_245, %dma_start3A_246] : memref<32x50x128xi32, #tpu.memory_space<hbm>> -> memref<1x50x128xi32, #tpu.memory_space<hbm>>
      %dma_start3A_248 = tpu.memref_squeeze %dma_start3A_247 : memref<1x50x128xi32, #tpu.memory_space<hbm>> -> memref<50x128xi32, #tpu.memory_space<hbm>>
      %dma_start3A_249 = arith.constant 0 : i32
      %dma_start3A_250 = arith.constant 0 : i32
      %dma_start3A_251 = tpu.memref_slice %arg2[%add3A, %dma_start3A_249, %dma_start3A_250] : memref<32x50x128xi32, #tpu.memory_space<hbm>> -> memref<1x50x128xi32, #tpu.memory_space<hbm>>
      %dma_start3A_252 = tpu.memref_squeeze %dma_start3A_251 : memref<1x50x128xi32, #tpu.memory_space<hbm>> -> memref<50x128xi32, #tpu.memory_space<hbm>>
      tpu.enqueue_dma source(%dma_start3A_252 : memref<50x128xi32, #tpu.memory_space<hbm>>) target(%arg5 : memref<50x128xi32, #tpu.memory_space<vmem>>) target_semaphore(%run_scoped3A : memref<!tpu.dma_semaphore, #tpu.memory_space<semaphore_mem>>)
      %dma_wait3A_253 = arith.constant 0 : i32
      %dma_wait3A_254 = arith.constant 0 : i32
      %dma_wait3A_255 = tpu.memref_slice %arg2[%add3A, %dma_wait3A_253, %dma_wait3A_254] : memref<32x50x128xi32, #tpu.memory_space<hbm>> -> memref<1x50x128xi32, #tpu.memory_space<hbm>>
      %dma_wait3A_256 = tpu.memref_squeeze %dma_wait3A_255 : memref<1x50x128xi32, #tpu.memory_space<hbm>> -> memref<50x128xi32, #tpu.memory_space<hbm>>
      %dma_wait3A_257 = arith.constant 0 : i32
      %dma_wait3A_258 = arith.constant 0 : i32
      %dma_wait3A_259 = tpu.memref_slice %arg2[%add3A, %dma_wait3A_257, %dma_wait3A_258] : memref<32x50x128xi32, #tpu.memory_space<hbm>> -> memref<1x50x128xi32, #tpu.memory_space<hbm>>
      %dma_wait3A_260 = tpu.memref_squeeze %dma_wait3A_259 : memref<1x50x128xi32, #tpu.memory_space<hbm>> -> memref<50x128xi32, #tpu.memory_space<hbm>>
      tpu.wait_dma2 semaphore(%run_scoped3A : memref<!tpu.dma_semaphore, #tpu.memory_space<semaphore_mem>>) src(%dma_wait3A_260 : memref<50x128xi32, #tpu.memory_space<hbm>>) dst(%arg5 : memref<50x128xi32, #tpu.memory_space<vmem>>)
      tpu.yield
    }) : () -> ()
    %dma_start3A = arith.constant 0 : i32
    %dma_start3A_3 = arith.constant 0 : i32
    %dma_start3A_4 = tpu.memref_slice %arg5[%dma_start3A, %dma_start3A_3] : memref<50x128xi32, #tpu.memory_space<vmem>> -> memref<1x128xi32, #tpu.memory_space<vmem>>
    %dma_start3A_5 = tpu.memref_squeeze %dma_start3A_4 : memref<1x128xi32, #tpu.memory_space<vmem>> -> memref<128xi32, #tpu.memory_space<vmem>>
    %dma_start3A_6 = arith.constant 0 : i32
    %dma_start3A_7 = arith.constant 0 : i32
    %dma_start3A_8 = tpu.memref_slice %arg3[%dma_start3A_6, %dma_start3A_7] : memref<1000000x64xf32, #tpu.memory_space<hbm>> -> memref<1000000x64xf32, #tpu.memory_space<hbm>>
    tpu.enqueue_indirect_dma source(%dma_start3A_8 : memref<1000000x64xf32, #tpu.memory_space<hbm>>) target(%arg6 : memref<128x64xf32, #tpu.memory_space<vmem>>) offsets(%dma_start3A_5 : memref<128xi32, #tpu.memory_space<vmem>>) semaphore(%arg16 : memref<!tpu.dma_semaphore, #tpu.memory_space<semaphore_mem>>)
    %dma_start3A_9 = arith.constant 1 : i32
    %dma_start3A_10 = arith.constant 0 : i32
    %dma_start3A_11 = tpu.memref_slice %arg5[%dma_start3A_9, %dma_start3A_10] : memref<50x128xi32, #tpu.memory_space<vmem>> -> memref<1x128xi32, #tpu.memory_space<vmem>>
    %dma_start3A_12 = tpu.memref_squeeze %dma_start3A_11 : memref<1x128xi32, #tpu.memory_space<vmem>> -> memref<128xi32, #tpu.memory_space<vmem>>
    %dma_start3A_13 = arith.constant 0 : i32
    %dma_start3A_14 = arith.constant 0 : i32
    %dma_start3A_15 = tpu.memref_slice %arg3[%dma_start3A_13, %dma_start3A_14] : memref<1000000x64xf32, #tpu.memory_space<hbm>> -> memref<1000000x64xf32, #tpu.memory_space<hbm>>
    tpu.enqueue_indirect_dma source(%dma_start3A_15 : memref<1000000x64xf32, #tpu.memory_space<hbm>>) target(%arg7 : memref<128x64xf32, #tpu.memory_space<vmem>>) offsets(%dma_start3A_12 : memref<128xi32, #tpu.memory_space<vmem>>) semaphore(%arg17 : memref<!tpu.dma_semaphore, #tpu.memory_space<semaphore_mem>>)
    %dma_start3A_16 = arith.constant 2 : i32
    %dma_start3A_17 = arith.constant 0 : i32
    %dma_start3A_18 = tpu.memref_slice %arg5[%dma_start3A_16, %dma_start3A_17] : memref<50x128xi32, #tpu.memory_space<vmem>> -> memref<1x128xi32, #tpu.memory_space<vmem>>
    %dma_start3A_19 = tpu.memref_squeeze %dma_start3A_18 : memref<1x128xi32, #tpu.memory_space<vmem>> -> memref<128xi32, #tpu.memory_space<vmem>>
    %dma_start3A_20 = arith.constant 0 : i32
    %dma_start3A_21 = arith.constant 0 : i32
    %dma_start3A_22 = tpu.memref_slice %arg3[%dma_start3A_20, %dma_start3A_21] : memref<1000000x64xf32, #tpu.memory_space<hbm>> -> memref<1000000x64xf32, #tpu.memory_space<hbm>>
    tpu.enqueue_indirect_dma source(%dma_start3A_22 : memref<1000000x64xf32, #tpu.memory_space<hbm>>) target(%arg8 : memref<128x64xf32, #tpu.memory_space<vmem>>) offsets(%dma_start3A_19 : memref<128xi32, #tpu.memory_space<vmem>>) semaphore(%arg18 : memref<!tpu.dma_semaphore, #tpu.memory_space<semaphore_mem>>)
    %dma_start3A_23 = arith.constant 3 : i32
    %dma_start3A_24 = arith.constant 0 : i32
    %dma_start3A_25 = tpu.memref_slice %arg5[%dma_start3A_23, %dma_start3A_24] : memref<50x128xi32, #tpu.memory_space<vmem>> -> memref<1x128xi32, #tpu.memory_space<vmem>>
    %dma_start3A_26 = tpu.memref_squeeze %dma_start3A_25 : memref<1x128xi32, #tpu.memory_space<vmem>> -> memref<128xi32, #tpu.memory_space<vmem>>
    %dma_start3A_27 = arith.constant 0 : i32
    %dma_start3A_28 = arith.constant 0 : i32
    %dma_start3A_29 = tpu.memref_slice %arg3[%dma_start3A_27, %dma_start3A_28] : memref<1000000x64xf32, #tpu.memory_space<hbm>> -> memref<1000000x64xf32, #tpu.memory_space<hbm>>
    tpu.enqueue_indirect_dma source(%dma_start3A_29 : memref<1000000x64xf32, #tpu.memory_space<hbm>>) target(%arg9 : memref<128x64xf32, #tpu.memory_space<vmem>>) offsets(%dma_start3A_26 : memref<128xi32, #tpu.memory_space<vmem>>) semaphore(%arg19 : memref<!tpu.dma_semaphore, #tpu.memory_space<semaphore_mem>>)
    %dma_start3A_30 = arith.constant 4 : i32
    %dma_start3A_31 = arith.constant 0 : i32
    %dma_start3A_32 = tpu.memref_slice %arg5[%dma_start3A_30, %dma_start3A_31] : memref<50x128xi32, #tpu.memory_space<vmem>> -> memref<1x128xi32, #tpu.memory_space<vmem>>
    %dma_start3A_33 = tpu.memref_squeeze %dma_start3A_32 : memref<1x128xi32, #tpu.memory_space<vmem>> -> memref<128xi32, #tpu.memory_space<vmem>>
    %dma_start3A_34 = arith.constant 0 : i32
    %dma_start3A_35 = arith.constant 0 : i32
    %dma_start3A_36 = tpu.memref_slice %arg3[%dma_start3A_34, %dma_start3A_35] : memref<1000000x64xf32, #tpu.memory_space<hbm>> -> memref<1000000x64xf32, #tpu.memory_space<hbm>>
    tpu.enqueue_indirect_dma source(%dma_start3A_36 : memref<1000000x64xf32, #tpu.memory_space<hbm>>) target(%arg10 : memref<128x64xf32, #tpu.memory_space<vmem>>) offsets(%dma_start3A_33 : memref<128xi32, #tpu.memory_space<vmem>>) semaphore(%arg20 : memref<!tpu.dma_semaphore, #tpu.memory_space<semaphore_mem>>)
    %dma_start3A_37 = arith.constant 5 : i32
    %dma_start3A_38 = arith.constant 0 : i32
    %dma_start3A_39 = tpu.memref_slice %arg5[%dma_start3A_37, %dma_start3A_38] : memref<50x128xi32, #tpu.memory_space<vmem>> -> memref<1x128xi32, #tpu.memory_space<vmem>>
    %dma_start3A_40 = tpu.memref_squeeze %dma_start3A_39 : memref<1x128xi32, #tpu.memory_space<vmem>> -> memref<128xi32, #tpu.memory_space<vmem>>
    %dma_start3A_41 = arith.constant 0 : i32
    %dma_start3A_42 = arith.constant 0 : i32
    %dma_start3A_43 = tpu.memref_slice %arg3[%dma_start3A_41, %dma_start3A_42] : memref<1000000x64xf32, #tpu.memory_space<hbm>> -> memref<1000000x64xf32, #tpu.memory_space<hbm>>
    tpu.enqueue_indirect_dma source(%dma_start3A_43 : memref<1000000x64xf32, #tpu.memory_space<hbm>>) target(%arg11 : memref<128x64xf32, #tpu.memory_space<vmem>>) offsets(%dma_start3A_40 : memref<128xi32, #tpu.memory_space<vmem>>) semaphore(%arg21 : memref<!tpu.dma_semaphore, #tpu.memory_space<semaphore_mem>>)
    %dma_wait3A = arith.constant 0 : i32
    %dma_wait3A_44 = arith.constant 0 : i32
    %dma_wait3A_45 = tpu.memref_slice %arg5[%dma_wait3A, %dma_wait3A_44] : memref<50x128xi32, #tpu.memory_space<vmem>> -> memref<1x128xi32, #tpu.memory_space<vmem>>
    %dma_wait3A_46 = tpu.memref_squeeze %dma_wait3A_45 : memref<1x128xi32, #tpu.memory_space<vmem>> -> memref<128xi32, #tpu.memory_space<vmem>>
    %dma_wait3A_47 = arith.constant 0 : i32
    %dma_wait3A_48 = arith.constant 0 : i32
    %dma_wait3A_49 = tpu.memref_slice %arg3[%dma_wait3A_47, %dma_wait3A_48] : memref<1000000x64xf32, #tpu.memory_space<hbm>> -> memref<1000000x64xf32, #tpu.memory_space<hbm>>
    tpu.wait_indirect_dma semaphore(%arg16 : memref<!tpu.dma_semaphore, #tpu.memory_space<semaphore_mem>>) src(%dma_wait3A_49 : memref<1000000x64xf32, #tpu.memory_space<hbm>>) dst(%arg6 : memref<128x64xf32, #tpu.memory_space<vmem>>)
    %add3A_50 = arith.constant 0 : i32
    %add3A_51 = arith.addi %mul3A_2, %add3A_50 : i32
    %dma_start3A_52 = arith.constant 0 : i32
    %dma_start3A_53 = tpu.memref_slice %arg4[%add3A_51, %dma_start3A_52] : memref<204800x64xf32, #tpu.memory_space<hbm>> -> memref<128x64xf32, #tpu.memory_space<hbm>>
    %dma_start3A_54 = arith.constant 0 : i32
    %dma_start3A_55 = tpu.memref_slice %arg4[%add3A_51, %dma_start3A_54] : memref<204800x64xf32, #tpu.memory_space<hbm>> -> memref<128x64xf32, #tpu.memory_space<hbm>>
    tpu.enqueue_dma source(%arg6 : memref<128x64xf32, #tpu.memory_space<vmem>>) target(%dma_start3A_55 : memref<128x64xf32, #tpu.memory_space<hbm>>) target_semaphore(%arg26 : memref<!tpu.dma_semaphore, #tpu.memory_space<semaphore_mem>>)
    %dma_start3A_56 = arith.constant 6 : i32
    %dma_start3A_57 = arith.constant 0 : i32
    %dma_start3A_58 = tpu.memref_slice %arg5[%dma_start3A_56, %dma_start3A_57] : memref<50x128xi32, #tpu.memory_space<vmem>> -> memref<1x128xi32, #tpu.memory_space<vmem>>
    %dma_start3A_59 = tpu.memref_squeeze %dma_start3A_58 : memref<1x128xi32, #tpu.memory_space<vmem>> -> memref<128xi32, #tpu.memory_space<vmem>>
    %dma_start3A_60 = arith.constant 0 : i32
    %dma_start3A_61 = arith.constant 0 : i32
    %dma_start3A_62 = tpu.memref_slice %arg3[%dma_start3A_60, %dma_start3A_61] : memref<1000000x64xf32, #tpu.memory_space<hbm>> -> memref<1000000x64xf32, #tpu.memory_space<hbm>>
    tpu.enqueue_indirect_dma source(%dma_start3A_62 : memref<1000000x64xf32, #tpu.memory_space<hbm>>) target(%arg12 : memref<128x64xf32, #tpu.memory_space<vmem>>) offsets(%dma_start3A_59 : memref<128xi32, #tpu.memory_space<vmem>>) semaphore(%arg22 : memref<!tpu.dma_semaphore, #tpu.memory_space<semaphore_mem>>)
    %dma_wait3A_63 = arith.constant 0 : i32
    %dma_wait3A_64 = arith.constant 0 : i32
    %dma_wait3A_65 = tpu.memref_slice %arg5[%dma_wait3A_63, %dma_wait3A_64] : memref<50x128xi32, #tpu.memory_space<vmem>> -> memref<1x128xi32, #tpu.memory_space<vmem>>
    %dma_wait3A_66 = tpu.memref_squeeze %dma_wait3A_65 : memref<1x128xi32, #tpu.memory_space<vmem>> -> memref<128xi32, #tpu.memory_space<vmem>>
    %dma_wait3A_67 = arith.constant 0 : i32
    %dma_wait3A_68 = arith.constant 0 : i32
    %dma_wait3A_69 = tpu.memref_slice %arg3[%dma_wait3A_67, %dma_wait3A_68] : memref<1000000x64xf32, #tpu.memory_space<hbm>> -> memref<1000000x64xf32, #tpu.memory_space<hbm>>
    tpu.wait_indirect_dma semaphore(%arg17 : memref<!tpu.dma_semaphore, #tpu.memory_space<semaphore_mem>>) src(%dma_wait3A_69 : memref<1000000x64xf32, #tpu.memory_space<hbm>>) dst(%arg7 : memref<128x64xf32, #tpu.memory_space<vmem>>)
    %add3A_70 = arith.constant 128 : i32
    %add3A_71 = arith.addi %mul3A_2, %add3A_70 : i32
    %dma_start3A_72 = arith.constant 0 : i32
    %dma_start3A_73 = tpu.memref_slice %arg4[%add3A_71, %dma_start3A_72] : memref<204800x64xf32, #tpu.memory_space<hbm>> -> memref<128x64xf32, #tpu.memory_space<hbm>>
    %dma_start3A_74 = arith.constant 0 : i32
    %dma_start3A_75 = tpu.memref_slice %arg4[%add3A_71, %dma_start3A_74] : memref<204800x64xf32, #tpu.memory_space<hbm>> -> memref<128x64xf32, #tpu.memory_space<hbm>>
    tpu.enqueue_dma source(%arg7 : memref<128x64xf32, #tpu.memory_space<vmem>>) target(%dma_start3A_75 : memref<128x64xf32, #tpu.memory_space<hbm>>) target_semaphore(%arg27 : memref<!tpu.dma_semaphore, #tpu.memory_space<semaphore_mem>>)
    %dma_start3A_76 = arith.constant 7 : i32
    %dma_start3A_77 = arith.constant 0 : i32
    %dma_start3A_78 = tpu.memref_slice %arg5[%dma_start3A_76, %dma_start3A_77] : memref<50x128xi32, #tpu.memory_space<vmem>> -> memref<1x128xi32, #tpu.memory_space<vmem>>
    %dma_start3A_79 = tpu.memref_squeeze %dma_start3A_78 : memref<1x128xi32, #tpu.memory_space<vmem>> -> memref<128xi32, #tpu.memory_space<vmem>>
    %dma_start3A_80 = arith.constant 0 : i32
    %dma_start3A_81 = arith.constant 0 : i32
    %dma_start3A_82 = tpu.memref_slice %arg3[%dma_start3A_80, %dma_start3A_81] : memref<1000000x64xf32, #tpu.memory_space<hbm>> -> memref<1000000x64xf32, #tpu.memory_space<hbm>>
    tpu.enqueue_indirect_dma source(%dma_start3A_82 : memref<1000000x64xf32, #tpu.memory_space<hbm>>) target(%arg13 : memref<128x64xf32, #tpu.memory_space<vmem>>) offsets(%dma_start3A_79 : memref<128xi32, #tpu.memory_space<vmem>>) semaphore(%arg23 : memref<!tpu.dma_semaphore, #tpu.memory_space<semaphore_mem>>)
    %dma_wait3A_83 = arith.constant 0 : i32
    %dma_wait3A_84 = arith.constant 0 : i32
    %dma_wait3A_85 = tpu.memref_slice %arg5[%dma_wait3A_83, %dma_wait3A_84] : memref<50x128xi32, #tpu.memory_space<vmem>> -> memref<1x128xi32, #tpu.memory_space<vmem>>
    %dma_wait3A_86 = tpu.memref_squeeze %dma_wait3A_85 : memref<1x128xi32, #tpu.memory_space<vmem>> -> memref<128xi32, #tpu.memory_space<vmem>>
    %dma_wait3A_87 = arith.constant 0 : i32
    %dma_wait3A_88 = arith.constant 0 : i32
    %dma_wait3A_89 = tpu.memref_slice %arg3[%dma_wait3A_87, %dma_wait3A_88] : memref<1000000x64xf32, #tpu.memory_space<hbm>> -> memref<1000000x64xf32, #tpu.memory_space<hbm>>
    tpu.wait_indirect_dma semaphore(%arg18 : memref<!tpu.dma_semaphore, #tpu.memory_space<semaphore_mem>>) src(%dma_wait3A_89 : memref<1000000x64xf32, #tpu.memory_space<hbm>>) dst(%arg8 : memref<128x64xf32, #tpu.memory_space<vmem>>)
    %add3A_90 = arith.constant 256 : i32
    %add3A_91 = arith.addi %mul3A_2, %add3A_90 : i32
    %dma_start3A_92 = arith.constant 0 : i32
    %dma_start3A_93 = tpu.memref_slice %arg4[%add3A_91, %dma_start3A_92] : memref<204800x64xf32, #tpu.memory_space<hbm>> -> memref<128x64xf32, #tpu.memory_space<hbm>>
    %dma_start3A_94 = arith.constant 0 : i32
    %dma_start3A_95 = tpu.memref_slice %arg4[%add3A_91, %dma_start3A_94] : memref<204800x64xf32, #tpu.memory_space<hbm>> -> memref<128x64xf32, #tpu.memory_space<hbm>>
    tpu.enqueue_dma source(%arg8 : memref<128x64xf32, #tpu.memory_space<vmem>>) target(%dma_start3A_95 : memref<128x64xf32, #tpu.memory_space<hbm>>) target_semaphore(%arg28 : memref<!tpu.dma_semaphore, #tpu.memory_space<semaphore_mem>>)
    %dma_start3A_96 = arith.constant 8 : i32
    %dma_start3A_97 = arith.constant 0 : i32
    %dma_start3A_98 = tpu.memref_slice %arg5[%dma_start3A_96, %dma_start3A_97] : memref<50x128xi32, #tpu.memory_space<vmem>> -> memref<1x128xi32, #tpu.memory_space<vmem>>
    %dma_start3A_99 = tpu.memref_squeeze %dma_start3A_98 : memref<1x128xi32, #tpu.memory_space<vmem>> -> memref<128xi32, #tpu.memory_space<vmem>>
    %dma_start3A_100 = arith.constant 0 : i32
    %dma_start3A_101 = arith.constant 0 : i32
    %dma_start3A_102 = tpu.memref_slice %arg3[%dma_start3A_100, %dma_start3A_101] : memref<1000000x64xf32, #tpu.memory_space<hbm>> -> memref<1000000x64xf32, #tpu.memory_space<hbm>>
    tpu.enqueue_indirect_dma source(%dma_start3A_102 : memref<1000000x64xf32, #tpu.memory_space<hbm>>) target(%arg14 : memref<128x64xf32, #tpu.memory_space<vmem>>) offsets(%dma_start3A_99 : memref<128xi32, #tpu.memory_space<vmem>>) semaphore(%arg24 : memref<!tpu.dma_semaphore, #tpu.memory_space<semaphore_mem>>)
    %dma_wait3A_103 = arith.constant 0 : i32
    %dma_wait3A_104 = arith.constant 0 : i32
    %dma_wait3A_105 = tpu.memref_slice %arg5[%dma_wait3A_103, %dma_wait3A_104] : memref<50x128xi32, #tpu.memory_space<vmem>> -> memref<1x128xi32, #tpu.memory_space<vmem>>
    %dma_wait3A_106 = tpu.memref_squeeze %dma_wait3A_105 : memref<1x128xi32, #tpu.memory_space<vmem>> -> memref<128xi32, #tpu.memory_space<vmem>>
    %dma_wait3A_107 = arith.constant 0 : i32
    %dma_wait3A_108 = arith.constant 0 : i32
    %dma_wait3A_109 = tpu.memref_slice %arg3[%dma_wait3A_107, %dma_wait3A_108] : memref<1000000x64xf32, #tpu.memory_space<hbm>> -> memref<1000000x64xf32, #tpu.memory_space<hbm>>
    tpu.wait_indirect_dma semaphore(%arg19 : memref<!tpu.dma_semaphore, #tpu.memory_space<semaphore_mem>>) src(%dma_wait3A_109 : memref<1000000x64xf32, #tpu.memory_space<hbm>>) dst(%arg9 : memref<128x64xf32, #tpu.memory_space<vmem>>)
    %add3A_110 = arith.constant 384 : i32
    %add3A_111 = arith.addi %mul3A_2, %add3A_110 : i32
    %dma_start3A_112 = arith.constant 0 : i32
    %dma_start3A_113 = tpu.memref_slice %arg4[%add3A_111, %dma_start3A_112] : memref<204800x64xf32, #tpu.memory_space<hbm>> -> memref<128x64xf32, #tpu.memory_space<hbm>>
    %dma_start3A_114 = arith.constant 0 : i32
    %dma_start3A_115 = tpu.memref_slice %arg4[%add3A_111, %dma_start3A_114] : memref<204800x64xf32, #tpu.memory_space<hbm>> -> memref<128x64xf32, #tpu.memory_space<hbm>>
    tpu.enqueue_dma source(%arg9 : memref<128x64xf32, #tpu.memory_space<vmem>>) target(%dma_start3A_115 : memref<128x64xf32, #tpu.memory_space<hbm>>) target_semaphore(%arg29 : memref<!tpu.dma_semaphore, #tpu.memory_space<semaphore_mem>>)
    %dma_start3A_116 = arith.constant 9 : i32
    %dma_start3A_117 = arith.constant 0 : i32
    %dma_start3A_118 = tpu.memref_slice %arg5[%dma_start3A_116, %dma_start3A_117] : memref<50x128xi32, #tpu.memory_space<vmem>> -> memref<1x128xi32, #tpu.memory_space<vmem>>
    %dma_start3A_119 = tpu.memref_squeeze %dma_start3A_118 : memref<1x128xi32, #tpu.memory_space<vmem>> -> memref<128xi32, #tpu.memory_space<vmem>>
    %dma_start3A_120 = arith.constant 0 : i32
    %dma_start3A_121 = arith.constant 0 : i32
    %dma_start3A_122 = tpu.memref_slice %arg3[%dma_start3A_120, %dma_start3A_121] : memref<1000000x64xf32, #tpu.memory_space<hbm>> -> memref<1000000x64xf32, #tpu.memory_space<hbm>>
    tpu.enqueue_indirect_dma source(%dma_start3A_122 : memref<1000000x64xf32, #tpu.memory_space<hbm>>) target(%arg15 : memref<128x64xf32, #tpu.memory_space<vmem>>) offsets(%dma_start3A_119 : memref<128xi32, #tpu.memory_space<vmem>>) semaphore(%arg25 : memref<!tpu.dma_semaphore, #tpu.memory_space<semaphore_mem>>)
    %dma_wait3A_123 = arith.constant 0 : i32
    %dma_wait3A_124 = arith.constant 0 : i32
    %dma_wait3A_125 = tpu.memref_slice %arg5[%dma_wait3A_123, %dma_wait3A_124] : memref<50x128xi32, #tpu.memory_space<vmem>> -> memref<1x128xi32, #tpu.memory_space<vmem>>
    %dma_wait3A_126 = tpu.memref_squeeze %dma_wait3A_125 : memref<1x128xi32, #tpu.memory_space<vmem>> -> memref<128xi32, #tpu.memory_space<vmem>>
    %dma_wait3A_127 = arith.constant 0 : i32
    %dma_wait3A_128 = arith.constant 0 : i32
    %dma_wait3A_129 = tpu.memref_slice %arg3[%dma_wait3A_127, %dma_wait3A_128] : memref<1000000x64xf32, #tpu.memory_space<hbm>> -> memref<1000000x64xf32, #tpu.memory_space<hbm>>
    tpu.wait_indirect_dma semaphore(%arg20 : memref<!tpu.dma_semaphore, #tpu.memory_space<semaphore_mem>>) src(%dma_wait3A_129 : memref<1000000x64xf32, #tpu.memory_space<hbm>>) dst(%arg10 : memref<128x64xf32, #tpu.memory_space<vmem>>)
    %add3A_130 = arith.constant 512 : i32
    %add3A_131 = arith.addi %mul3A_2, %add3A_130 : i32
    %dma_start3A_132 = arith.constant 0 : i32
    %dma_start3A_133 = tpu.memref_slice %arg4[%add3A_131, %dma_start3A_132] : memref<204800x64xf32, #tpu.memory_space<hbm>> -> memref<128x64xf32, #tpu.memory_space<hbm>>
    %dma_start3A_134 = arith.constant 0 : i32
    %dma_start3A_135 = tpu.memref_slice %arg4[%add3A_131, %dma_start3A_134] : memref<204800x64xf32, #tpu.memory_space<hbm>> -> memref<128x64xf32, #tpu.memory_space<hbm>>
    tpu.enqueue_dma source(%arg10 : memref<128x64xf32, #tpu.memory_space<vmem>>) target(%dma_start3A_135 : memref<128x64xf32, #tpu.memory_space<hbm>>) target_semaphore(%arg30 : memref<!tpu.dma_semaphore, #tpu.memory_space<semaphore_mem>>)
    %scan3A = arith.constant 0 : i32
    %scan3A_136 = arith.constant 4 : i32
    %scan3A_137 = arith.addi %scan3A, %scan3A_136 : i32
    %scan3A_138 = arith.constant 1 : i32
    scf.for %scan3A_245 = %scan3A to %scan3A_137 step %scan3A_138  : i32 {
      %mul3A_246 = arith.constant 10 : i32
      %mul3A_247 = arith.muli %scan3A_245, %mul3A_246 : i32
      %add3A_248 = arith.constant 5 : i32
      %add3A_249 = arith.addi %add3A_248, %mul3A_247 : i32
      %add3A_250 = arith.constant 0 : i32
      %add3A_251 = arith.addi %add3A_249, %add3A_250 : i32
      %dma_wait3A_252 = arith.constant 0 : i32
      %dma_wait3A_253 = tpu.memref_slice %arg4[%mul3A_2, %dma_wait3A_252] : memref<204800x64xf32, #tpu.memory_space<hbm>> -> memref<128x64xf32, #tpu.memory_space<hbm>>
      %dma_wait3A_254 = arith.constant 0 : i32
      %dma_wait3A_255 = tpu.memref_slice %arg4[%mul3A_2, %dma_wait3A_254] : memref<204800x64xf32, #tpu.memory_space<hbm>> -> memref<128x64xf32, #tpu.memory_space<hbm>>
      tpu.wait_dma2 semaphore(%arg26 : memref<!tpu.dma_semaphore, #tpu.memory_space<semaphore_mem>>) src(%arg6 : memref<128x64xf32, #tpu.memory_space<vmem>>) dst(%dma_wait3A_255 : memref<128x64xf32, #tpu.memory_space<hbm>>)
      %add3A_256 = arith.constant 5 : i32
      %add3A_257 = arith.addi %add3A_251, %add3A_256 : i32
      %dma_start3A_258 = arith.constant 0 : i32
      %dma_start3A_259 = tpu.memref_slice %arg5[%add3A_257, %dma_start3A_258] : memref<50x128xi32, #tpu.memory_space<vmem>> -> memref<1x128xi32, #tpu.memory_space<vmem>>
      %dma_start3A_260 = tpu.memref_squeeze %dma_start3A_259 : memref<1x128xi32, #tpu.memory_space<vmem>> -> memref<128xi32, #tpu.memory_space<vmem>>
      %dma_start3A_261 = arith.constant 0 : i32
      %dma_start3A_262 = arith.constant 0 : i32
      %dma_start3A_263 = tpu.memref_slice %arg3[%dma_start3A_261, %dma_start3A_262] : memref<1000000x64xf32, #tpu.memory_space<hbm>> -> memref<1000000x64xf32, #tpu.memory_space<hbm>>
      tpu.enqueue_indirect_dma source(%dma_start3A_263 : memref<1000000x64xf32, #tpu.memory_space<hbm>>) target(%arg6 : memref<128x64xf32, #tpu.memory_space<vmem>>) offsets(%dma_start3A_260 : memref<128xi32, #tpu.memory_space<vmem>>) semaphore(%arg16 : memref<!tpu.dma_semaphore, #tpu.memory_space<semaphore_mem>>)
      %dma_wait3A_264 = arith.constant 0 : i32
      %dma_wait3A_265 = arith.constant 0 : i32
      %dma_wait3A_266 = tpu.memref_slice %arg5[%dma_wait3A_264, %dma_wait3A_265] : memref<50x128xi32, #tpu.memory_space<vmem>> -> memref<1x128xi32, #tpu.memory_space<vmem>>
      %dma_wait3A_267 = tpu.memref_squeeze %dma_wait3A_266 : memref<1x128xi32, #tpu.memory_space<vmem>> -> memref<128xi32, #tpu.memory_space<vmem>>
      %dma_wait3A_268 = arith.constant 0 : i32
      %dma_wait3A_269 = arith.constant 0 : i32
      %dma_wait3A_270 = tpu.memref_slice %arg3[%dma_wait3A_268, %dma_wait3A_269] : memref<1000000x64xf32, #tpu.memory_space<hbm>> -> memref<1000000x64xf32, #tpu.memory_space<hbm>>
      tpu.wait_indirect_dma semaphore(%arg21 : memref<!tpu.dma_semaphore, #tpu.memory_space<semaphore_mem>>) src(%dma_wait3A_270 : memref<1000000x64xf32, #tpu.memory_space<hbm>>) dst(%arg11 : memref<128x64xf32, #tpu.memory_space<vmem>>)
      %mul3A_271 = arith.constant 128 : i32
      %mul3A_272 = arith.muli %add3A_251, %mul3A_271 : i32
      %add3A_273 = arith.addi %mul3A_2, %mul3A_272 : i32
      %dma_start3A_274 = arith.constant 0 : i32
      %dma_start3A_275 = tpu.memref_slice %arg4[%add3A_273, %dma_start3A_274] : memref<204800x64xf32, #tpu.memory_space<hbm>> -> memref<128x64xf32, #tpu.memory_space<hbm>>
      %dma_start3A_276 = arith.constant 0 : i32
      %dma_start3A_277 = tpu.memref_slice %arg4[%add3A_273, %dma_start3A_276] : memref<204800x64xf32, #tpu.memory_space<hbm>> -> memref<128x64xf32, #tpu.memory_space<hbm>>
      tpu.enqueue_dma source(%arg11 : memref<128x64xf32, #tpu.memory_space<vmem>>) target(%dma_start3A_277 : memref<128x64xf32, #tpu.memory_space<hbm>>) target_semaphore(%arg31 : memref<!tpu.dma_semaphore, #tpu.memory_space<semaphore_mem>>)
      %add3A_278 = arith.constant 1 : i32
      %add3A_279 = arith.addi %add3A_249, %add3A_278 : i32
      %dma_wait3A_280 = arith.constant 0 : i32
      %dma_wait3A_281 = tpu.memref_slice %arg4[%mul3A_2, %dma_wait3A_280] : memref<204800x64xf32, #tpu.memory_space<hbm>> -> memref<128x64xf32, #tpu.memory_space<hbm>>
      %dma_wait3A_282 = arith.constant 0 : i32
      %dma_wait3A_283 = tpu.memref_slice %arg4[%mul3A_2, %dma_wait3A_282] : memref<204800x64xf32, #tpu.memory_space<hbm>> -> memref<128x64xf32, #tpu.memory_space<hbm>>
      tpu.wait_dma2 semaphore(%arg27 : memref<!tpu.dma_semaphore, #tpu.memory_space<semaphore_mem>>) src(%arg7 : memref<128x64xf32, #tpu.memory_space<vmem>>) dst(%dma_wait3A_283 : memref<128x64xf32, #tpu.memory_space<hbm>>)
      %add3A_284 = arith.constant 5 : i32
      %add3A_285 = arith.addi %add3A_279, %add3A_284 : i32
      %dma_start3A_286 = arith.constant 0 : i32
      %dma_start3A_287 = tpu.memref_slice %arg5[%add3A_285, %dma_start3A_286] : memref<50x128xi32, #tpu.memory_space<vmem>> -> memref<1x128xi32, #tpu.memory_space<vmem>>
      %dma_start3A_288 = tpu.memref_squeeze %dma_start3A_287 : memref<1x128xi32, #tpu.memory_space<vmem>> -> memref<128xi32, #tpu.memory_space<vmem>>
      %dma_start3A_289 = arith.constant 0 : i32
      %dma_start3A_290 = arith.constant 0 : i32
      %dma_start3A_291 = tpu.memref_slice %arg3[%dma_start3A_289, %dma_start3A_290] : memref<1000000x64xf32, #tpu.memory_space<hbm>> -> memref<1000000x64xf32, #tpu.memory_space<hbm>>
      tpu.enqueue_indirect_dma source(%dma_start3A_291 : memref<1000000x64xf32, #tpu.memory_space<hbm>>) target(%arg7 : memref<128x64xf32, #tpu.memory_space<vmem>>) offsets(%dma_start3A_288 : memref<128xi32, #tpu.memory_space<vmem>>) semaphore(%arg17 : memref<!tpu.dma_semaphore, #tpu.memory_space<semaphore_mem>>)
      %dma_wait3A_292 = arith.constant 0 : i32
      %dma_wait3A_293 = arith.constant 0 : i32
      %dma_wait3A_294 = tpu.memref_slice %arg5[%dma_wait3A_292, %dma_wait3A_293] : memref<50x128xi32, #tpu.memory_space<vmem>> -> memref<1x128xi32, #tpu.memory_space<vmem>>
      %dma_wait3A_295 = tpu.memref_squeeze %dma_wait3A_294 : memref<1x128xi32, #tpu.memory_space<vmem>> -> memref<128xi32, #tpu.memory_space<vmem>>
      %dma_wait3A_296 = arith.constant 0 : i32
      %dma_wait3A_297 = arith.constant 0 : i32
      %dma_wait3A_298 = tpu.memref_slice %arg3[%dma_wait3A_296, %dma_wait3A_297] : memref<1000000x64xf32, #tpu.memory_space<hbm>> -> memref<1000000x64xf32, #tpu.memory_space<hbm>>
      tpu.wait_indirect_dma semaphore(%arg22 : memref<!tpu.dma_semaphore, #tpu.memory_space<semaphore_mem>>) src(%dma_wait3A_298 : memref<1000000x64xf32, #tpu.memory_space<hbm>>) dst(%arg12 : memref<128x64xf32, #tpu.memory_space<vmem>>)
      %mul3A_299 = arith.constant 128 : i32
      %mul3A_300 = arith.muli %add3A_279, %mul3A_299 : i32
      %add3A_301 = arith.addi %mul3A_2, %mul3A_300 : i32
      %dma_start3A_302 = arith.constant 0 : i32
      %dma_start3A_303 = tpu.memref_slice %arg4[%add3A_301, %dma_start3A_302] : memref<204800x64xf32, #tpu.memory_space<hbm>> -> memref<128x64xf32, #tpu.memory_space<hbm>>
      %dma_start3A_304 = arith.constant 0 : i32
      %dma_start3A_305 = tpu.memref_slice %arg4[%add3A_301, %dma_start3A_304] : memref<204800x64xf32, #tpu.memory_space<hbm>> -> memref<128x64xf32, #tpu.memory_space<hbm>>
      tpu.enqueue_dma source(%arg12 : memref<128x64xf32, #tpu.memory_space<vmem>>) target(%dma_start3A_305 : memref<128x64xf32, #tpu.memory_space<hbm>>) target_semaphore(%arg32 : memref<!tpu.dma_semaphore, #tpu.memory_space<semaphore_mem>>)
      %add3A_306 = arith.constant 2 : i32
      %add3A_307 = arith.addi %add3A_249, %add3A_306 : i32
      %dma_wait3A_308 = arith.constant 0 : i32
      %dma_wait3A_309 = tpu.memref_slice %arg4[%mul3A_2, %dma_wait3A_308] : memref<204800x64xf32, #tpu.memory_space<hbm>> -> memref<128x64xf32, #tpu.memory_space<hbm>>
      %dma_wait3A_310 = arith.constant 0 : i32
      %dma_wait3A_311 = tpu.memref_slice %arg4[%mul3A_2, %dma_wait3A_310] : memref<204800x64xf32, #tpu.memory_space<hbm>> -> memref<128x64xf32, #tpu.memory_space<hbm>>
      tpu.wait_dma2 semaphore(%arg28 : memref<!tpu.dma_semaphore, #tpu.memory_space<semaphore_mem>>) src(%arg8 : memref<128x64xf32, #tpu.memory_space<vmem>>) dst(%dma_wait3A_311 : memref<128x64xf32, #tpu.memory_space<hbm>>)
      %add3A_312 = arith.constant 5 : i32
      %add3A_313 = arith.addi %add3A_307, %add3A_312 : i32
      %dma_start3A_314 = arith.constant 0 : i32
      %dma_start3A_315 = tpu.memref_slice %arg5[%add3A_313, %dma_start3A_314] : memref<50x128xi32, #tpu.memory_space<vmem>> -> memref<1x128xi32, #tpu.memory_space<vmem>>
      %dma_start3A_316 = tpu.memref_squeeze %dma_start3A_315 : memref<1x128xi32, #tpu.memory_space<vmem>> -> memref<128xi32, #tpu.memory_space<vmem>>
      %dma_start3A_317 = arith.constant 0 : i32
      %dma_start3A_318 = arith.constant 0 : i32
      %dma_start3A_319 = tpu.memref_slice %arg3[%dma_start3A_317, %dma_start3A_318] : memref<1000000x64xf32, #tpu.memory_space<hbm>> -> memref<1000000x64xf32, #tpu.memory_space<hbm>>
      tpu.enqueue_indirect_dma source(%dma_start3A_319 : memref<1000000x64xf32, #tpu.memory_space<hbm>>) target(%arg8 : memref<128x64xf32, #tpu.memory_space<vmem>>) offsets(%dma_start3A_316 : memref<128xi32, #tpu.memory_space<vmem>>) semaphore(%arg18 : memref<!tpu.dma_semaphore, #tpu.memory_space<semaphore_mem>>)
      %dma_wait3A_320 = arith.constant 0 : i32
      %dma_wait3A_321 = arith.constant 0 : i32
      %dma_wait3A_322 = tpu.memref_slice %arg5[%dma_wait3A_320, %dma_wait3A_321] : memref<50x128xi32, #tpu.memory_space<vmem>> -> memref<1x128xi32, #tpu.memory_space<vmem>>
      %dma_wait3A_323 = tpu.memref_squeeze %dma_wait3A_322 : memref<1x128xi32, #tpu.memory_space<vmem>> -> memref<128xi32, #tpu.memory_space<vmem>>
      %dma_wait3A_324 = arith.constant 0 : i32
      %dma_wait3A_325 = arith.constant 0 : i32
      %dma_wait3A_326 = tpu.memref_slice %arg3[%dma_wait3A_324, %dma_wait3A_325] : memref<1000000x64xf32, #tpu.memory_space<hbm>> -> memref<1000000x64xf32, #tpu.memory_space<hbm>>
      tpu.wait_indirect_dma semaphore(%arg23 : memref<!tpu.dma_semaphore, #tpu.memory_space<semaphore_mem>>) src(%dma_wait3A_326 : memref<1000000x64xf32, #tpu.memory_space<hbm>>) dst(%arg13 : memref<128x64xf32, #tpu.memory_space<vmem>>)
      %mul3A_327 = arith.constant 128 : i32
      %mul3A_328 = arith.muli %add3A_307, %mul3A_327 : i32
      %add3A_329 = arith.addi %mul3A_2, %mul3A_328 : i32
      %dma_start3A_330 = arith.constant 0 : i32
      %dma_start3A_331 = tpu.memref_slice %arg4[%add3A_329, %dma_start3A_330] : memref<204800x64xf32, #tpu.memory_space<hbm>> -> memref<128x64xf32, #tpu.memory_space<hbm>>
      %dma_start3A_332 = arith.constant 0 : i32
      %dma_start3A_333 = tpu.memref_slice %arg4[%add3A_329, %dma_start3A_332] : memref<204800x64xf32, #tpu.memory_space<hbm>> -> memref<128x64xf32, #tpu.memory_space<hbm>>
      tpu.enqueue_dma source(%arg13 : memref<128x64xf32, #tpu.memory_space<vmem>>) target(%dma_start3A_333 : memref<128x64xf32, #tpu.memory_space<hbm>>) target_semaphore(%arg33 : memref<!tpu.dma_semaphore, #tpu.memory_space<semaphore_mem>>)
      %add3A_334 = arith.constant 3 : i32
      %add3A_335 = arith.addi %add3A_249, %add3A_334 : i32
      %dma_wait3A_336 = arith.constant 0 : i32
      %dma_wait3A_337 = tpu.memref_slice %arg4[%mul3A_2, %dma_wait3A_336] : memref<204800x64xf32, #tpu.memory_space<hbm>> -> memref<128x64xf32, #tpu.memory_space<hbm>>
      %dma_wait3A_338 = arith.constant 0 : i32
      %dma_wait3A_339 = tpu.memref_slice %arg4[%mul3A_2, %dma_wait3A_338] : memref<204800x64xf32, #tpu.memory_space<hbm>> -> memref<128x64xf32, #tpu.memory_space<hbm>>
      tpu.wait_dma2 semaphore(%arg29 : memref<!tpu.dma_semaphore, #tpu.memory_space<semaphore_mem>>) src(%arg9 : memref<128x64xf32, #tpu.memory_space<vmem>>) dst(%dma_wait3A_339 : memref<128x64xf32, #tpu.memory_space<hbm>>)
      %add3A_340 = arith.constant 5 : i32
      %add3A_341 = arith.addi %add3A_335, %add3A_340 : i32
      %dma_start3A_342 = arith.constant 0 : i32
      %dma_start3A_343 = tpu.memref_slice %arg5[%add3A_341, %dma_start3A_342] : memref<50x128xi32, #tpu.memory_space<vmem>> -> memref<1x128xi32, #tpu.memory_space<vmem>>
      %dma_start3A_344 = tpu.memref_squeeze %dma_start3A_343 : memref<1x128xi32, #tpu.memory_space<vmem>> -> memref<128xi32, #tpu.memory_space<vmem>>
      %dma_start3A_345 = arith.constant 0 : i32
      %dma_start3A_346 = arith.constant 0 : i32
      %dma_start3A_347 = tpu.memref_slice %arg3[%dma_start3A_345, %dma_start3A_346] : memref<1000000x64xf32, #tpu.memory_space<hbm>> -> memref<1000000x64xf32, #tpu.memory_space<hbm>>
      tpu.enqueue_indirect_dma source(%dma_start3A_347 : memref<1000000x64xf32, #tpu.memory_space<hbm>>) target(%arg9 : memref<128x64xf32, #tpu.memory_space<vmem>>) offsets(%dma_start3A_344 : memref<128xi32, #tpu.memory_space<vmem>>) semaphore(%arg19 : memref<!tpu.dma_semaphore, #tpu.memory_space<semaphore_mem>>)
      %dma_wait3A_348 = arith.constant 0 : i32
      %dma_wait3A_349 = arith.constant 0 : i32
      %dma_wait3A_350 = tpu.memref_slice %arg5[%dma_wait3A_348, %dma_wait3A_349] : memref<50x128xi32, #tpu.memory_space<vmem>> -> memref<1x128xi32, #tpu.memory_space<vmem>>
      %dma_wait3A_351 = tpu.memref_squeeze %dma_wait3A_350 : memref<1x128xi32, #tpu.memory_space<vmem>> -> memref<128xi32, #tpu.memory_space<vmem>>
      %dma_wait3A_352 = arith.constant 0 : i32
      %dma_wait3A_353 = arith.constant 0 : i32
      %dma_wait3A_354 = tpu.memref_slice %arg3[%dma_wait3A_352, %dma_wait3A_353] : memref<1000000x64xf32, #tpu.memory_space<hbm>> -> memref<1000000x64xf32, #tpu.memory_space<hbm>>
      tpu.wait_indirect_dma semaphore(%arg24 : memref<!tpu.dma_semaphore, #tpu.memory_space<semaphore_mem>>) src(%dma_wait3A_354 : memref<1000000x64xf32, #tpu.memory_space<hbm>>) dst(%arg14 : memref<128x64xf32, #tpu.memory_space<vmem>>)
      %mul3A_355 = arith.constant 128 : i32
      %mul3A_356 = arith.muli %add3A_335, %mul3A_355 : i32
      %add3A_357 = arith.addi %mul3A_2, %mul3A_356 : i32
      %dma_start3A_358 = arith.constant 0 : i32
      %dma_start3A_359 = tpu.memref_slice %arg4[%add3A_357, %dma_start3A_358] : memref<204800x64xf32, #tpu.memory_space<hbm>> -> memref<128x64xf32, #tpu.memory_space<hbm>>
      %dma_start3A_360 = arith.constant 0 : i32
      %dma_start3A_361 = tpu.memref_slice %arg4[%add3A_357, %dma_start3A_360] : memref<204800x64xf32, #tpu.memory_space<hbm>> -> memref<128x64xf32, #tpu.memory_space<hbm>>
      tpu.enqueue_dma source(%arg14 : memref<128x64xf32, #tpu.memory_space<vmem>>) target(%dma_start3A_361 : memref<128x64xf32, #tpu.memory_space<hbm>>) target_semaphore(%arg34 : memref<!tpu.dma_semaphore, #tpu.memory_space<semaphore_mem>>)
      %add3A_362 = arith.constant 4 : i32
      %add3A_363 = arith.addi %add3A_249, %add3A_362 : i32
      %dma_wait3A_364 = arith.constant 0 : i32
      %dma_wait3A_365 = tpu.memref_slice %arg4[%mul3A_2, %dma_wait3A_364] : memref<204800x64xf32, #tpu.memory_space<hbm>> -> memref<128x64xf32, #tpu.memory_space<hbm>>
      %dma_wait3A_366 = arith.constant 0 : i32
      %dma_wait3A_367 = tpu.memref_slice %arg4[%mul3A_2, %dma_wait3A_366] : memref<204800x64xf32, #tpu.memory_space<hbm>> -> memref<128x64xf32, #tpu.memory_space<hbm>>
      tpu.wait_dma2 semaphore(%arg30 : memref<!tpu.dma_semaphore, #tpu.memory_space<semaphore_mem>>) src(%arg10 : memref<128x64xf32, #tpu.memory_space<vmem>>) dst(%dma_wait3A_367 : memref<128x64xf32, #tpu.memory_space<hbm>>)
      %add3A_368 = arith.constant 5 : i32
      %add3A_369 = arith.addi %add3A_363, %add3A_368 : i32
      %dma_start3A_370 = arith.constant 0 : i32
      %dma_start3A_371 = tpu.memref_slice %arg5[%add3A_369, %dma_start3A_370] : memref<50x128xi32, #tpu.memory_space<vmem>> -> memref<1x128xi32, #tpu.memory_space<vmem>>
      %dma_start3A_372 = tpu.memref_squeeze %dma_start3A_371 : memref<1x128xi32, #tpu.memory_space<vmem>> -> memref<128xi32, #tpu.memory_space<vmem>>
      %dma_start3A_373 = arith.constant 0 : i32
      %dma_start3A_374 = arith.constant 0 : i32
      %dma_start3A_375 = tpu.memref_slice %arg3[%dma_start3A_373, %dma_start3A_374] : memref<1000000x64xf32, #tpu.memory_space<hbm>> -> memref<1000000x64xf32, #tpu.memory_space<hbm>>
      tpu.enqueue_indirect_dma source(%dma_start3A_375 : memref<1000000x64xf32, #tpu.memory_space<hbm>>) target(%arg10 : memref<128x64xf32, #tpu.memory_space<vmem>>) offsets(%dma_start3A_372 : memref<128xi32, #tpu.memory_space<vmem>>) semaphore(%arg20 : memref<!tpu.dma_semaphore, #tpu.memory_space<semaphore_mem>>)
      %dma_wait3A_376 = arith.constant 0 : i32
      %dma_wait3A_377 = arith.constant 0 : i32
      %dma_wait3A_378 = tpu.memref_slice %arg5[%dma_wait3A_376, %dma_wait3A_377] : memref<50x128xi32, #tpu.memory_space<vmem>> -> memref<1x128xi32, #tpu.memory_space<vmem>>
      %dma_wait3A_379 = tpu.memref_squeeze %dma_wait3A_378 : memref<1x128xi32, #tpu.memory_space<vmem>> -> memref<128xi32, #tpu.memory_space<vmem>>
      %dma_wait3A_380 = arith.constant 0 : i32
      %dma_wait3A_381 = arith.constant 0 : i32
      %dma_wait3A_382 = tpu.memref_slice %arg3[%dma_wait3A_380, %dma_wait3A_381] : memref<1000000x64xf32, #tpu.memory_space<hbm>> -> memref<1000000x64xf32, #tpu.memory_space<hbm>>
      tpu.wait_indirect_dma semaphore(%arg25 : memref<!tpu.dma_semaphore, #tpu.memory_space<semaphore_mem>>) src(%dma_wait3A_382 : memref<1000000x64xf32, #tpu.memory_space<hbm>>) dst(%arg15 : memref<128x64xf32, #tpu.memory_space<vmem>>)
      %mul3A_383 = arith.constant 128 : i32
      %mul3A_384 = arith.muli %add3A_363, %mul3A_383 : i32
      %add3A_385 = arith.addi %mul3A_2, %mul3A_384 : i32
      %dma_start3A_386 = arith.constant 0 : i32
      %dma_start3A_387 = tpu.memref_slice %arg4[%add3A_385, %dma_start3A_386] : memref<204800x64xf32, #tpu.memory_space<hbm>> -> memref<128x64xf32, #tpu.memory_space<hbm>>
      %dma_start3A_388 = arith.constant 0 : i32
      %dma_start3A_389 = tpu.memref_slice %arg4[%add3A_385, %dma_start3A_388] : memref<204800x64xf32, #tpu.memory_space<hbm>> -> memref<128x64xf32, #tpu.memory_space<hbm>>
      tpu.enqueue_dma source(%arg15 : memref<128x64xf32, #tpu.memory_space<vmem>>) target(%dma_start3A_389 : memref<128x64xf32, #tpu.memory_space<hbm>>) target_semaphore(%arg35 : memref<!tpu.dma_semaphore, #tpu.memory_space<semaphore_mem>>)
      %add3A_390 = arith.constant 5 : i32
      %add3A_391 = arith.addi %add3A_249, %add3A_390 : i32
      %dma_wait3A_392 = arith.constant 0 : i32
      %dma_wait3A_393 = tpu.memref_slice %arg4[%mul3A_2, %dma_wait3A_392] : memref<204800x64xf32, #tpu.memory_space<hbm>> -> memref<128x64xf32, #tpu.memory_space<hbm>>
      %dma_wait3A_394 = arith.constant 0 : i32
      %dma_wait3A_395 = tpu.memref_slice %arg4[%mul3A_2, %dma_wait3A_394] : memref<204800x64xf32, #tpu.memory_space<hbm>> -> memref<128x64xf32, #tpu.memory_space<hbm>>
      tpu.wait_dma2 semaphore(%arg31 : memref<!tpu.dma_semaphore, #tpu.memory_space<semaphore_mem>>) src(%arg11 : memref<128x64xf32, #tpu.memory_space<vmem>>) dst(%dma_wait3A_395 : memref<128x64xf32, #tpu.memory_space<hbm>>)
      %add3A_396 = arith.constant 5 : i32
      %add3A_397 = arith.addi %add3A_391, %add3A_396 : i32
      %dma_start3A_398 = arith.constant 0 : i32
      %dma_start3A_399 = tpu.memref_slice %arg5[%add3A_397, %dma_start3A_398] : memref<50x128xi32, #tpu.memory_space<vmem>> -> memref<1x128xi32, #tpu.memory_space<vmem>>
      %dma_start3A_400 = tpu.memref_squeeze %dma_start3A_399 : memref<1x128xi32, #tpu.memory_space<vmem>> -> memref<128xi32, #tpu.memory_space<vmem>>
      %dma_start3A_401 = arith.constant 0 : i32
      %dma_start3A_402 = arith.constant 0 : i32
      %dma_start3A_403 = tpu.memref_slice %arg3[%dma_start3A_401, %dma_start3A_402] : memref<1000000x64xf32, #tpu.memory_space<hbm>> -> memref<1000000x64xf32, #tpu.memory_space<hbm>>
      tpu.enqueue_indirect_dma source(%dma_start3A_403 : memref<1000000x64xf32, #tpu.memory_space<hbm>>) target(%arg11 : memref<128x64xf32, #tpu.memory_space<vmem>>) offsets(%dma_start3A_400 : memref<128xi32, #tpu.memory_space<vmem>>) semaphore(%arg21 : memref<!tpu.dma_semaphore, #tpu.memory_space<semaphore_mem>>)
      %dma_wait3A_404 = arith.constant 0 : i32
      %dma_wait3A_405 = arith.constant 0 : i32
      %dma_wait3A_406 = tpu.memref_slice %arg5[%dma_wait3A_404, %dma_wait3A_405] : memref<50x128xi32, #tpu.memory_space<vmem>> -> memref<1x128xi32, #tpu.memory_space<vmem>>
      %dma_wait3A_407 = tpu.memref_squeeze %dma_wait3A_406 : memref<1x128xi32, #tpu.memory_space<vmem>> -> memref<128xi32, #tpu.memory_space<vmem>>
      %dma_wait3A_408 = arith.constant 0 : i32
      %dma_wait3A_409 = arith.constant 0 : i32
      %dma_wait3A_410 = tpu.memref_slice %arg3[%dma_wait3A_408, %dma_wait3A_409] : memref<1000000x64xf32, #tpu.memory_space<hbm>> -> memref<1000000x64xf32, #tpu.memory_space<hbm>>
      tpu.wait_indirect_dma semaphore(%arg16 : memref<!tpu.dma_semaphore, #tpu.memory_space<semaphore_mem>>) src(%dma_wait3A_410 : memref<1000000x64xf32, #tpu.memory_space<hbm>>) dst(%arg6 : memref<128x64xf32, #tpu.memory_space<vmem>>)
      %mul3A_411 = arith.constant 128 : i32
      %mul3A_412 = arith.muli %add3A_391, %mul3A_411 : i32
      %add3A_413 = arith.addi %mul3A_2, %mul3A_412 : i32
      %dma_start3A_414 = arith.constant 0 : i32
      %dma_start3A_415 = tpu.memref_slice %arg4[%add3A_413, %dma_start3A_414] : memref<204800x64xf32, #tpu.memory_space<hbm>> -> memref<128x64xf32, #tpu.memory_space<hbm>>
      %dma_start3A_416 = arith.constant 0 : i32
      %dma_start3A_417 = tpu.memref_slice %arg4[%add3A_413, %dma_start3A_416] : memref<204800x64xf32, #tpu.memory_space<hbm>> -> memref<128x64xf32, #tpu.memory_space<hbm>>
      tpu.enqueue_dma source(%arg6 : memref<128x64xf32, #tpu.memory_space<vmem>>) target(%dma_start3A_417 : memref<128x64xf32, #tpu.memory_space<hbm>>) target_semaphore(%arg26 : memref<!tpu.dma_semaphore, #tpu.memory_space<semaphore_mem>>)
      %add3A_418 = arith.constant 6 : i32
      %add3A_419 = arith.addi %add3A_249, %add3A_418 : i32
      %dma_wait3A_420 = arith.constant 0 : i32
      %dma_wait3A_421 = tpu.memref_slice %arg4[%mul3A_2, %dma_wait3A_420] : memref<204800x64xf32, #tpu.memory_space<hbm>> -> memref<128x64xf32, #tpu.memory_space<hbm>>
      %dma_wait3A_422 = arith.constant 0 : i32
      %dma_wait3A_423 = tpu.memref_slice %arg4[%mul3A_2, %dma_wait3A_422] : memref<204800x64xf32, #tpu.memory_space<hbm>> -> memref<128x64xf32, #tpu.memory_space<hbm>>
      tpu.wait_dma2 semaphore(%arg32 : memref<!tpu.dma_semaphore, #tpu.memory_space<semaphore_mem>>) src(%arg12 : memref<128x64xf32, #tpu.memory_space<vmem>>) dst(%dma_wait3A_423 : memref<128x64xf32, #tpu.memory_space<hbm>>)
      %add3A_424 = arith.constant 5 : i32
      %add3A_425 = arith.addi %add3A_419, %add3A_424 : i32
      %dma_start3A_426 = arith.constant 0 : i32
      %dma_start3A_427 = tpu.memref_slice %arg5[%add3A_425, %dma_start3A_426] : memref<50x128xi32, #tpu.memory_space<vmem>> -> memref<1x128xi32, #tpu.memory_space<vmem>>
      %dma_start3A_428 = tpu.memref_squeeze %dma_start3A_427 : memref<1x128xi32, #tpu.memory_space<vmem>> -> memref<128xi32, #tpu.memory_space<vmem>>
      %dma_start3A_429 = arith.constant 0 : i32
      %dma_start3A_430 = arith.constant 0 : i32
      %dma_start3A_431 = tpu.memref_slice %arg3[%dma_start3A_429, %dma_start3A_430] : memref<1000000x64xf32, #tpu.memory_space<hbm>> -> memref<1000000x64xf32, #tpu.memory_space<hbm>>
      tpu.enqueue_indirect_dma source(%dma_start3A_431 : memref<1000000x64xf32, #tpu.memory_space<hbm>>) target(%arg12 : memref<128x64xf32, #tpu.memory_space<vmem>>) offsets(%dma_start3A_428 : memref<128xi32, #tpu.memory_space<vmem>>) semaphore(%arg22 : memref<!tpu.dma_semaphore, #tpu.memory_space<semaphore_mem>>)
      %dma_wait3A_432 = arith.constant 0 : i32
      %dma_wait3A_433 = arith.constant 0 : i32
      %dma_wait3A_434 = tpu.memref_slice %arg5[%dma_wait3A_432, %dma_wait3A_433] : memref<50x128xi32, #tpu.memory_space<vmem>> -> memref<1x128xi32, #tpu.memory_space<vmem>>
      %dma_wait3A_435 = tpu.memref_squeeze %dma_wait3A_434 : memref<1x128xi32, #tpu.memory_space<vmem>> -> memref<128xi32, #tpu.memory_space<vmem>>
      %dma_wait3A_436 = arith.constant 0 : i32
      %dma_wait3A_437 = arith.constant 0 : i32
      %dma_wait3A_438 = tpu.memref_slice %arg3[%dma_wait3A_436, %dma_wait3A_437] : memref<1000000x64xf32, #tpu.memory_space<hbm>> -> memref<1000000x64xf32, #tpu.memory_space<hbm>>
      tpu.wait_indirect_dma semaphore(%arg17 : memref<!tpu.dma_semaphore, #tpu.memory_space<semaphore_mem>>) src(%dma_wait3A_438 : memref<1000000x64xf32, #tpu.memory_space<hbm>>) dst(%arg7 : memref<128x64xf32, #tpu.memory_space<vmem>>)
      %mul3A_439 = arith.constant 128 : i32
      %mul3A_440 = arith.muli %add3A_419, %mul3A_439 : i32
      %add3A_441 = arith.addi %mul3A_2, %mul3A_440 : i32
      %dma_start3A_442 = arith.constant 0 : i32
      %dma_start3A_443 = tpu.memref_slice %arg4[%add3A_441, %dma_start3A_442] : memref<204800x64xf32, #tpu.memory_space<hbm>> -> memref<128x64xf32, #tpu.memory_space<hbm>>
      %dma_start3A_444 = arith.constant 0 : i32
      %dma_start3A_445 = tpu.memref_slice %arg4[%add3A_441, %dma_start3A_444] : memref<204800x64xf32, #tpu.memory_space<hbm>> -> memref<128x64xf32, #tpu.memory_space<hbm>>
      tpu.enqueue_dma source(%arg7 : memref<128x64xf32, #tpu.memory_space<vmem>>) target(%dma_start3A_445 : memref<128x64xf32, #tpu.memory_space<hbm>>) target_semaphore(%arg27 : memref<!tpu.dma_semaphore, #tpu.memory_space<semaphore_mem>>)
      %add3A_446 = arith.constant 7 : i32
      %add3A_447 = arith.addi %add3A_249, %add3A_446 : i32
      %dma_wait3A_448 = arith.constant 0 : i32
      %dma_wait3A_449 = tpu.memref_slice %arg4[%mul3A_2, %dma_wait3A_448] : memref<204800x64xf32, #tpu.memory_space<hbm>> -> memref<128x64xf32, #tpu.memory_space<hbm>>
      %dma_wait3A_450 = arith.constant 0 : i32
      %dma_wait3A_451 = tpu.memref_slice %arg4[%mul3A_2, %dma_wait3A_450] : memref<204800x64xf32, #tpu.memory_space<hbm>> -> memref<128x64xf32, #tpu.memory_space<hbm>>
      tpu.wait_dma2 semaphore(%arg33 : memref<!tpu.dma_semaphore, #tpu.memory_space<semaphore_mem>>) src(%arg13 : memref<128x64xf32, #tpu.memory_space<vmem>>) dst(%dma_wait3A_451 : memref<128x64xf32, #tpu.memory_space<hbm>>)
      %add3A_452 = arith.constant 5 : i32
      %add3A_453 = arith.addi %add3A_447, %add3A_452 : i32
      %dma_start3A_454 = arith.constant 0 : i32
      %dma_start3A_455 = tpu.memref_slice %arg5[%add3A_453, %dma_start3A_454] : memref<50x128xi32, #tpu.memory_space<vmem>> -> memref<1x128xi32, #tpu.memory_space<vmem>>
      %dma_start3A_456 = tpu.memref_squeeze %dma_start3A_455 : memref<1x128xi32, #tpu.memory_space<vmem>> -> memref<128xi32, #tpu.memory_space<vmem>>
      %dma_start3A_457 = arith.constant 0 : i32
      %dma_start3A_458 = arith.constant 0 : i32
      %dma_start3A_459 = tpu.memref_slice %arg3[%dma_start3A_457, %dma_start3A_458] : memref<1000000x64xf32, #tpu.memory_space<hbm>> -> memref<1000000x64xf32, #tpu.memory_space<hbm>>
      tpu.enqueue_indirect_dma source(%dma_start3A_459 : memref<1000000x64xf32, #tpu.memory_space<hbm>>) target(%arg13 : memref<128x64xf32, #tpu.memory_space<vmem>>) offsets(%dma_start3A_456 : memref<128xi32, #tpu.memory_space<vmem>>) semaphore(%arg23 : memref<!tpu.dma_semaphore, #tpu.memory_space<semaphore_mem>>)
      %dma_wait3A_460 = arith.constant 0 : i32
      %dma_wait3A_461 = arith.constant 0 : i32
      %dma_wait3A_462 = tpu.memref_slice %arg5[%dma_wait3A_460, %dma_wait3A_461] : memref<50x128xi32, #tpu.memory_space<vmem>> -> memref<1x128xi32, #tpu.memory_space<vmem>>
      %dma_wait3A_463 = tpu.memref_squeeze %dma_wait3A_462 : memref<1x128xi32, #tpu.memory_space<vmem>> -> memref<128xi32, #tpu.memory_space<vmem>>
      %dma_wait3A_464 = arith.constant 0 : i32
      %dma_wait3A_465 = arith.constant 0 : i32
      %dma_wait3A_466 = tpu.memref_slice %arg3[%dma_wait3A_464, %dma_wait3A_465] : memref<1000000x64xf32, #tpu.memory_space<hbm>> -> memref<1000000x64xf32, #tpu.memory_space<hbm>>
      tpu.wait_indirect_dma semaphore(%arg18 : memref<!tpu.dma_semaphore, #tpu.memory_space<semaphore_mem>>) src(%dma_wait3A_466 : memref<1000000x64xf32, #tpu.memory_space<hbm>>) dst(%arg8 : memref<128x64xf32, #tpu.memory_space<vmem>>)
      %mul3A_467 = arith.constant 128 : i32
      %mul3A_468 = arith.muli %add3A_447, %mul3A_467 : i32
      %add3A_469 = arith.addi %mul3A_2, %mul3A_468 : i32
      %dma_start3A_470 = arith.constant 0 : i32
      %dma_start3A_471 = tpu.memref_slice %arg4[%add3A_469, %dma_start3A_470] : memref<204800x64xf32, #tpu.memory_space<hbm>> -> memref<128x64xf32, #tpu.memory_space<hbm>>
      %dma_start3A_472 = arith.constant 0 : i32
      %dma_start3A_473 = tpu.memref_slice %arg4[%add3A_469, %dma_start3A_472] : memref<204800x64xf32, #tpu.memory_space<hbm>> -> memref<128x64xf32, #tpu.memory_space<hbm>>
      tpu.enqueue_dma source(%arg8 : memref<128x64xf32, #tpu.memory_space<vmem>>) target(%dma_start3A_473 : memref<128x64xf32, #tpu.memory_space<hbm>>) target_semaphore(%arg28 : memref<!tpu.dma_semaphore, #tpu.memory_space<semaphore_mem>>)
      %add3A_474 = arith.constant 8 : i32
      %add3A_475 = arith.addi %add3A_249, %add3A_474 : i32
      %dma_wait3A_476 = arith.constant 0 : i32
      %dma_wait3A_477 = tpu.memref_slice %arg4[%mul3A_2, %dma_wait3A_476] : memref<204800x64xf32, #tpu.memory_space<hbm>> -> memref<128x64xf32, #tpu.memory_space<hbm>>
      %dma_wait3A_478 = arith.constant 0 : i32
      %dma_wait3A_479 = tpu.memref_slice %arg4[%mul3A_2, %dma_wait3A_478] : memref<204800x64xf32, #tpu.memory_space<hbm>> -> memref<128x64xf32, #tpu.memory_space<hbm>>
      tpu.wait_dma2 semaphore(%arg34 : memref<!tpu.dma_semaphore, #tpu.memory_space<semaphore_mem>>) src(%arg14 : memref<128x64xf32, #tpu.memory_space<vmem>>) dst(%dma_wait3A_479 : memref<128x64xf32, #tpu.memory_space<hbm>>)
      %add3A_480 = arith.constant 5 : i32
      %add3A_481 = arith.addi %add3A_475, %add3A_480 : i32
      %dma_start3A_482 = arith.constant 0 : i32
      %dma_start3A_483 = tpu.memref_slice %arg5[%add3A_481, %dma_start3A_482] : memref<50x128xi32, #tpu.memory_space<vmem>> -> memref<1x128xi32, #tpu.memory_space<vmem>>
      %dma_start3A_484 = tpu.memref_squeeze %dma_start3A_483 : memref<1x128xi32, #tpu.memory_space<vmem>> -> memref<128xi32, #tpu.memory_space<vmem>>
      %dma_start3A_485 = arith.constant 0 : i32
      %dma_start3A_486 = arith.constant 0 : i32
      %dma_start3A_487 = tpu.memref_slice %arg3[%dma_start3A_485, %dma_start3A_486] : memref<1000000x64xf32, #tpu.memory_space<hbm>> -> memref<1000000x64xf32, #tpu.memory_space<hbm>>
      tpu.enqueue_indirect_dma source(%dma_start3A_487 : memref<1000000x64xf32, #tpu.memory_space<hbm>>) target(%arg14 : memref<128x64xf32, #tpu.memory_space<vmem>>) offsets(%dma_start3A_484 : memref<128xi32, #tpu.memory_space<vmem>>) semaphore(%arg24 : memref<!tpu.dma_semaphore, #tpu.memory_space<semaphore_mem>>)
      %dma_wait3A_488 = arith.constant 0 : i32
      %dma_wait3A_489 = arith.constant 0 : i32
      %dma_wait3A_490 = tpu.memref_slice %arg5[%dma_wait3A_488, %dma_wait3A_489] : memref<50x128xi32, #tpu.memory_space<vmem>> -> memref<1x128xi32, #tpu.memory_space<vmem>>
      %dma_wait3A_491 = tpu.memref_squeeze %dma_wait3A_490 : memref<1x128xi32, #tpu.memory_space<vmem>> -> memref<128xi32, #tpu.memory_space<vmem>>
      %dma_wait3A_492 = arith.constant 0 : i32
      %dma_wait3A_493 = arith.constant 0 : i32
      %dma_wait3A_494 = tpu.memref_slice %arg3[%dma_wait3A_492, %dma_wait3A_493] : memref<1000000x64xf32, #tpu.memory_space<hbm>> -> memref<1000000x64xf32, #tpu.memory_space<hbm>>
      tpu.wait_indirect_dma semaphore(%arg19 : memref<!tpu.dma_semaphore, #tpu.memory_space<semaphore_mem>>) src(%dma_wait3A_494 : memref<1000000x64xf32, #tpu.memory_space<hbm>>) dst(%arg9 : memref<128x64xf32, #tpu.memory_space<vmem>>)
      %mul3A_495 = arith.constant 128 : i32
      %mul3A_496 = arith.muli %add3A_475, %mul3A_495 : i32
      %add3A_497 = arith.addi %mul3A_2, %mul3A_496 : i32
      %dma_start3A_498 = arith.constant 0 : i32
      %dma_start3A_499 = tpu.memref_slice %arg4[%add3A_497, %dma_start3A_498] : memref<204800x64xf32, #tpu.memory_space<hbm>> -> memref<128x64xf32, #tpu.memory_space<hbm>>
      %dma_start3A_500 = arith.constant 0 : i32
      %dma_start3A_501 = tpu.memref_slice %arg4[%add3A_497, %dma_start3A_500] : memref<204800x64xf32, #tpu.memory_space<hbm>> -> memref<128x64xf32, #tpu.memory_space<hbm>>
      tpu.enqueue_dma source(%arg9 : memref<128x64xf32, #tpu.memory_space<vmem>>) target(%dma_start3A_501 : memref<128x64xf32, #tpu.memory_space<hbm>>) target_semaphore(%arg29 : memref<!tpu.dma_semaphore, #tpu.memory_space<semaphore_mem>>)
      %add3A_502 = arith.constant 9 : i32
      %add3A_503 = arith.addi %add3A_249, %add3A_502 : i32
      %dma_wait3A_504 = arith.constant 0 : i32
      %dma_wait3A_505 = tpu.memref_slice %arg4[%mul3A_2, %dma_wait3A_504] : memref<204800x64xf32, #tpu.memory_space<hbm>> -> memref<128x64xf32, #tpu.memory_space<hbm>>
      %dma_wait3A_506 = arith.constant 0 : i32
      %dma_wait3A_507 = tpu.memref_slice %arg4[%mul3A_2, %dma_wait3A_506] : memref<204800x64xf32, #tpu.memory_space<hbm>> -> memref<128x64xf32, #tpu.memory_space<hbm>>
      tpu.wait_dma2 semaphore(%arg35 : memref<!tpu.dma_semaphore, #tpu.memory_space<semaphore_mem>>) src(%arg15 : memref<128x64xf32, #tpu.memory_space<vmem>>) dst(%dma_wait3A_507 : memref<128x64xf32, #tpu.memory_space<hbm>>)
      %add3A_508 = arith.constant 5 : i32
      %add3A_509 = arith.addi %add3A_503, %add3A_508 : i32
      %dma_start3A_510 = arith.constant 0 : i32
      %dma_start3A_511 = tpu.memref_slice %arg5[%add3A_509, %dma_start3A_510] : memref<50x128xi32, #tpu.memory_space<vmem>> -> memref<1x128xi32, #tpu.memory_space<vmem>>
      %dma_start3A_512 = tpu.memref_squeeze %dma_start3A_511 : memref<1x128xi32, #tpu.memory_space<vmem>> -> memref<128xi32, #tpu.memory_space<vmem>>
      %dma_start3A_513 = arith.constant 0 : i32
      %dma_start3A_514 = arith.constant 0 : i32
      %dma_start3A_515 = tpu.memref_slice %arg3[%dma_start3A_513, %dma_start3A_514] : memref<1000000x64xf32, #tpu.memory_space<hbm>> -> memref<1000000x64xf32, #tpu.memory_space<hbm>>
      tpu.enqueue_indirect_dma source(%dma_start3A_515 : memref<1000000x64xf32, #tpu.memory_space<hbm>>) target(%arg15 : memref<128x64xf32, #tpu.memory_space<vmem>>) offsets(%dma_start3A_512 : memref<128xi32, #tpu.memory_space<vmem>>) semaphore(%arg25 : memref<!tpu.dma_semaphore, #tpu.memory_space<semaphore_mem>>)
      %dma_wait3A_516 = arith.constant 0 : i32
      %dma_wait3A_517 = arith.constant 0 : i32
      %dma_wait3A_518 = tpu.memref_slice %arg5[%dma_wait3A_516, %dma_wait3A_517] : memref<50x128xi32, #tpu.memory_space<vmem>> -> memref<1x128xi32, #tpu.memory_space<vmem>>
      %dma_wait3A_519 = tpu.memref_squeeze %dma_wait3A_518 : memref<1x128xi32, #tpu.memory_space<vmem>> -> memref<128xi32, #tpu.memory_space<vmem>>
      %dma_wait3A_520 = arith.constant 0 : i32
      %dma_wait3A_521 = arith.constant 0 : i32
      %dma_wait3A_522 = tpu.memref_slice %arg3[%dma_wait3A_520, %dma_wait3A_521] : memref<1000000x64xf32, #tpu.memory_space<hbm>> -> memref<1000000x64xf32, #tpu.memory_space<hbm>>
      tpu.wait_indirect_dma semaphore(%arg20 : memref<!tpu.dma_semaphore, #tpu.memory_space<semaphore_mem>>) src(%dma_wait3A_522 : memref<1000000x64xf32, #tpu.memory_space<hbm>>) dst(%arg10 : memref<128x64xf32, #tpu.memory_space<vmem>>)
      %mul3A_523 = arith.constant 128 : i32
      %mul3A_524 = arith.muli %add3A_503, %mul3A_523 : i32
      %add3A_525 = arith.addi %mul3A_2, %mul3A_524 : i32
      %dma_start3A_526 = arith.constant 0 : i32
      %dma_start3A_527 = tpu.memref_slice %arg4[%add3A_525, %dma_start3A_526] : memref<204800x64xf32, #tpu.memory_space<hbm>> -> memref<128x64xf32, #tpu.memory_space<hbm>>
      %dma_start3A_528 = arith.constant 0 : i32
      %dma_start3A_529 = tpu.memref_slice %arg4[%add3A_525, %dma_start3A_528] : memref<204800x64xf32, #tpu.memory_space<hbm>> -> memref<128x64xf32, #tpu.memory_space<hbm>>
      tpu.enqueue_dma source(%arg10 : memref<128x64xf32, #tpu.memory_space<vmem>>) target(%dma_start3A_529 : memref<128x64xf32, #tpu.memory_space<hbm>>) target_semaphore(%arg30 : memref<!tpu.dma_semaphore, #tpu.memory_space<semaphore_mem>>)
    }
    %scan3A_139 = arith.constant 4 : i32
    %dma_wait3A_140 = arith.constant 0 : i32
    %dma_wait3A_141 = tpu.memref_slice %arg4[%mul3A_2, %dma_wait3A_140] : memref<204800x64xf32, #tpu.memory_space<hbm>> -> memref<128x64xf32, #tpu.memory_space<hbm>>
    %dma_wait3A_142 = arith.constant 0 : i32
    %dma_wait3A_143 = tpu.memref_slice %arg4[%mul3A_2, %dma_wait3A_142] : memref<204800x64xf32, #tpu.memory_space<hbm>> -> memref<128x64xf32, #tpu.memory_space<hbm>>
    tpu.wait_dma2 semaphore(%arg26 : memref<!tpu.dma_semaphore, #tpu.memory_space<semaphore_mem>>) src(%arg6 : memref<128x64xf32, #tpu.memory_space<vmem>>) dst(%dma_wait3A_143 : memref<128x64xf32, #tpu.memory_space<hbm>>)
    %dma_wait3A_144 = arith.constant 0 : i32
    %dma_wait3A_145 = arith.constant 0 : i32
    %dma_wait3A_146 = tpu.memref_slice %arg5[%dma_wait3A_144, %dma_wait3A_145] : memref<50x128xi32, #tpu.memory_space<vmem>> -> memref<1x128xi32, #tpu.memory_space<vmem>>
    %dma_wait3A_147 = tpu.memref_squeeze %dma_wait3A_146 : memref<1x128xi32, #tpu.memory_space<vmem>> -> memref<128xi32, #tpu.memory_space<vmem>>
    %dma_wait3A_148 = arith.constant 0 : i32
    %dma_wait3A_149 = arith.constant 0 : i32
    %dma_wait3A_150 = tpu.memref_slice %arg3[%dma_wait3A_148, %dma_wait3A_149] : memref<1000000x64xf32, #tpu.memory_space<hbm>> -> memref<1000000x64xf32, #tpu.memory_space<hbm>>
    tpu.wait_indirect_dma semaphore(%arg21 : memref<!tpu.dma_semaphore, #tpu.memory_space<semaphore_mem>>) src(%dma_wait3A_150 : memref<1000000x64xf32, #tpu.memory_space<hbm>>) dst(%arg11 : memref<128x64xf32, #tpu.memory_space<vmem>>)
    %add3A_151 = arith.constant 5760 : i32
    %add3A_152 = arith.addi %mul3A_2, %add3A_151 : i32
    %dma_start3A_153 = arith.constant 0 : i32
    %dma_start3A_154 = tpu.memref_slice %arg4[%add3A_152, %dma_start3A_153] : memref<204800x64xf32, #tpu.memory_space<hbm>> -> memref<128x64xf32, #tpu.memory_space<hbm>>
    %dma_start3A_155 = arith.constant 0 : i32
    %dma_start3A_156 = tpu.memref_slice %arg4[%add3A_152, %dma_start3A_155] : memref<204800x64xf32, #tpu.memory_space<hbm>> -> memref<128x64xf32, #tpu.memory_space<hbm>>
    tpu.enqueue_dma source(%arg11 : memref<128x64xf32, #tpu.memory_space<vmem>>) target(%dma_start3A_156 : memref<128x64xf32, #tpu.memory_space<hbm>>) target_semaphore(%arg31 : memref<!tpu.dma_semaphore, #tpu.memory_space<semaphore_mem>>)
    %dma_wait3A_157 = arith.constant 0 : i32
    %dma_wait3A_158 = tpu.memref_slice %arg4[%mul3A_2, %dma_wait3A_157] : memref<204800x64xf32, #tpu.memory_space<hbm>> -> memref<128x64xf32, #tpu.memory_space<hbm>>
    %dma_wait3A_159 = arith.constant 0 : i32
    %dma_wait3A_160 = tpu.memref_slice %arg4[%mul3A_2, %dma_wait3A_159] : memref<204800x64xf32, #tpu.memory_space<hbm>> -> memref<128x64xf32, #tpu.memory_space<hbm>>
    tpu.wait_dma2 semaphore(%arg27 : memref<!tpu.dma_semaphore, #tpu.memory_space<semaphore_mem>>) src(%arg7 : memref<128x64xf32, #tpu.memory_space<vmem>>) dst(%dma_wait3A_160 : memref<128x64xf32, #tpu.memory_space<hbm>>)
    %dma_wait3A_161 = arith.constant 0 : i32
    %dma_wait3A_162 = arith.constant 0 : i32
    %dma_wait3A_163 = tpu.memref_slice %arg5[%dma_wait3A_161, %dma_wait3A_162] : memref<50x128xi32, #tpu.memory_space<vmem>> -> memref<1x128xi32, #tpu.memory_space<vmem>>
    %dma_wait3A_164 = tpu.memref_squeeze %dma_wait3A_163 : memref<1x128xi32, #tpu.memory_space<vmem>> -> memref<128xi32, #tpu.memory_space<vmem>>
    %dma_wait3A_165 = arith.constant 0 : i32
    %dma_wait3A_166 = arith.constant 0 : i32
    %dma_wait3A_167 = tpu.memref_slice %arg3[%dma_wait3A_165, %dma_wait3A_166] : memref<1000000x64xf32, #tpu.memory_space<hbm>> -> memref<1000000x64xf32, #tpu.memory_space<hbm>>
    tpu.wait_indirect_dma semaphore(%arg22 : memref<!tpu.dma_semaphore, #tpu.memory_space<semaphore_mem>>) src(%dma_wait3A_167 : memref<1000000x64xf32, #tpu.memory_space<hbm>>) dst(%arg12 : memref<128x64xf32, #tpu.memory_space<vmem>>)
    %add3A_168 = arith.constant 5888 : i32
    %add3A_169 = arith.addi %mul3A_2, %add3A_168 : i32
    %dma_start3A_170 = arith.constant 0 : i32
    %dma_start3A_171 = tpu.memref_slice %arg4[%add3A_169, %dma_start3A_170] : memref<204800x64xf32, #tpu.memory_space<hbm>> -> memref<128x64xf32, #tpu.memory_space<hbm>>
    %dma_start3A_172 = arith.constant 0 : i32
    %dma_start3A_173 = tpu.memref_slice %arg4[%add3A_169, %dma_start3A_172] : memref<204800x64xf32, #tpu.memory_space<hbm>> -> memref<128x64xf32, #tpu.memory_space<hbm>>
    tpu.enqueue_dma source(%arg12 : memref<128x64xf32, #tpu.memory_space<vmem>>) target(%dma_start3A_173 : memref<128x64xf32, #tpu.memory_space<hbm>>) target_semaphore(%arg32 : memref<!tpu.dma_semaphore, #tpu.memory_space<semaphore_mem>>)
    %dma_wait3A_174 = arith.constant 0 : i32
    %dma_wait3A_175 = tpu.memref_slice %arg4[%mul3A_2, %dma_wait3A_174] : memref<204800x64xf32, #tpu.memory_space<hbm>> -> memref<128x64xf32, #tpu.memory_space<hbm>>
    %dma_wait3A_176 = arith.constant 0 : i32
    %dma_wait3A_177 = tpu.memref_slice %arg4[%mul3A_2, %dma_wait3A_176] : memref<204800x64xf32, #tpu.memory_space<hbm>> -> memref<128x64xf32, #tpu.memory_space<hbm>>
    tpu.wait_dma2 semaphore(%arg28 : memref<!tpu.dma_semaphore, #tpu.memory_space<semaphore_mem>>) src(%arg8 : memref<128x64xf32, #tpu.memory_space<vmem>>) dst(%dma_wait3A_177 : memref<128x64xf32, #tpu.memory_space<hbm>>)
    %dma_wait3A_178 = arith.constant 0 : i32
    %dma_wait3A_179 = arith.constant 0 : i32
    %dma_wait3A_180 = tpu.memref_slice %arg5[%dma_wait3A_178, %dma_wait3A_179] : memref<50x128xi32, #tpu.memory_space<vmem>> -> memref<1x128xi32, #tpu.memory_space<vmem>>
    %dma_wait3A_181 = tpu.memref_squeeze %dma_wait3A_180 : memref<1x128xi32, #tpu.memory_space<vmem>> -> memref<128xi32, #tpu.memory_space<vmem>>
    %dma_wait3A_182 = arith.constant 0 : i32
    %dma_wait3A_183 = arith.constant 0 : i32
    %dma_wait3A_184 = tpu.memref_slice %arg3[%dma_wait3A_182, %dma_wait3A_183] : memref<1000000x64xf32, #tpu.memory_space<hbm>> -> memref<1000000x64xf32, #tpu.memory_space<hbm>>
    tpu.wait_indirect_dma semaphore(%arg23 : memref<!tpu.dma_semaphore, #tpu.memory_space<semaphore_mem>>) src(%dma_wait3A_184 : memref<1000000x64xf32, #tpu.memory_space<hbm>>) dst(%arg13 : memref<128x64xf32, #tpu.memory_space<vmem>>)
    %add3A_185 = arith.constant 6016 : i32
    %add3A_186 = arith.addi %mul3A_2, %add3A_185 : i32
    %dma_start3A_187 = arith.constant 0 : i32
    %dma_start3A_188 = tpu.memref_slice %arg4[%add3A_186, %dma_start3A_187] : memref<204800x64xf32, #tpu.memory_space<hbm>> -> memref<128x64xf32, #tpu.memory_space<hbm>>
    %dma_start3A_189 = arith.constant 0 : i32
    %dma_start3A_190 = tpu.memref_slice %arg4[%add3A_186, %dma_start3A_189] : memref<204800x64xf32, #tpu.memory_space<hbm>> -> memref<128x64xf32, #tpu.memory_space<hbm>>
    tpu.enqueue_dma source(%arg13 : memref<128x64xf32, #tpu.memory_space<vmem>>) target(%dma_start3A_190 : memref<128x64xf32, #tpu.memory_space<hbm>>) target_semaphore(%arg33 : memref<!tpu.dma_semaphore, #tpu.memory_space<semaphore_mem>>)
    %dma_wait3A_191 = arith.constant 0 : i32
    %dma_wait3A_192 = tpu.memref_slice %arg4[%mul3A_2, %dma_wait3A_191] : memref<204800x64xf32, #tpu.memory_space<hbm>> -> memref<128x64xf32, #tpu.memory_space<hbm>>
    %dma_wait3A_193 = arith.constant 0 : i32
    %dma_wait3A_194 = tpu.memref_slice %arg4[%mul3A_2, %dma_wait3A_193] : memref<204800x64xf32, #tpu.memory_space<hbm>> -> memref<128x64xf32, #tpu.memory_space<hbm>>
    tpu.wait_dma2 semaphore(%arg29 : memref<!tpu.dma_semaphore, #tpu.memory_space<semaphore_mem>>) src(%arg9 : memref<128x64xf32, #tpu.memory_space<vmem>>) dst(%dma_wait3A_194 : memref<128x64xf32, #tpu.memory_space<hbm>>)
    %dma_wait3A_195 = arith.constant 0 : i32
    %dma_wait3A_196 = arith.constant 0 : i32
    %dma_wait3A_197 = tpu.memref_slice %arg5[%dma_wait3A_195, %dma_wait3A_196] : memref<50x128xi32, #tpu.memory_space<vmem>> -> memref<1x128xi32, #tpu.memory_space<vmem>>
    %dma_wait3A_198 = tpu.memref_squeeze %dma_wait3A_197 : memref<1x128xi32, #tpu.memory_space<vmem>> -> memref<128xi32, #tpu.memory_space<vmem>>
    %dma_wait3A_199 = arith.constant 0 : i32
    %dma_wait3A_200 = arith.constant 0 : i32
    %dma_wait3A_201 = tpu.memref_slice %arg3[%dma_wait3A_199, %dma_wait3A_200] : memref<1000000x64xf32, #tpu.memory_space<hbm>> -> memref<1000000x64xf32, #tpu.memory_space<hbm>>
    tpu.wait_indirect_dma semaphore(%arg24 : memref<!tpu.dma_semaphore, #tpu.memory_space<semaphore_mem>>) src(%dma_wait3A_201 : memref<1000000x64xf32, #tpu.memory_space<hbm>>) dst(%arg14 : memref<128x64xf32, #tpu.memory_space<vmem>>)
    %add3A_202 = arith.constant 6144 : i32
    %add3A_203 = arith.addi %mul3A_2, %add3A_202 : i32
    %dma_start3A_204 = arith.constant 0 : i32
    %dma_start3A_205 = tpu.memref_slice %arg4[%add3A_203, %dma_start3A_204] : memref<204800x64xf32, #tpu.memory_space<hbm>> -> memref<128x64xf32, #tpu.memory_space<hbm>>
    %dma_start3A_206 = arith.constant 0 : i32
    %dma_start3A_207 = tpu.memref_slice %arg4[%add3A_203, %dma_start3A_206] : memref<204800x64xf32, #tpu.memory_space<hbm>> -> memref<128x64xf32, #tpu.memory_space<hbm>>
    tpu.enqueue_dma source(%arg14 : memref<128x64xf32, #tpu.memory_space<vmem>>) target(%dma_start3A_207 : memref<128x64xf32, #tpu.memory_space<hbm>>) target_semaphore(%arg34 : memref<!tpu.dma_semaphore, #tpu.memory_space<semaphore_mem>>)
    %dma_wait3A_208 = arith.constant 0 : i32
    %dma_wait3A_209 = tpu.memref_slice %arg4[%mul3A_2, %dma_wait3A_208] : memref<204800x64xf32, #tpu.memory_space<hbm>> -> memref<128x64xf32, #tpu.memory_space<hbm>>
    %dma_wait3A_210 = arith.constant 0 : i32
    %dma_wait3A_211 = tpu.memref_slice %arg4[%mul3A_2, %dma_wait3A_210] : memref<204800x64xf32, #tpu.memory_space<hbm>> -> memref<128x64xf32, #tpu.memory_space<hbm>>
    tpu.wait_dma2 semaphore(%arg30 : memref<!tpu.dma_semaphore, #tpu.memory_space<semaphore_mem>>) src(%arg10 : memref<128x64xf32, #tpu.memory_space<vmem>>) dst(%dma_wait3A_211 : memref<128x64xf32, #tpu.memory_space<hbm>>)
    %dma_wait3A_212 = arith.constant 0 : i32
    %dma_wait3A_213 = arith.constant 0 : i32
    %dma_wait3A_214 = tpu.memref_slice %arg5[%dma_wait3A_212, %dma_wait3A_213] : memref<50x128xi32, #tpu.memory_space<vmem>> -> memref<1x128xi32, #tpu.memory_space<vmem>>
    %dma_wait3A_215 = tpu.memref_squeeze %dma_wait3A_214 : memref<1x128xi32, #tpu.memory_space<vmem>> -> memref<128xi32, #tpu.memory_space<vmem>>
    %dma_wait3A_216 = arith.constant 0 : i32
    %dma_wait3A_217 = arith.constant 0 : i32
    %dma_wait3A_218 = tpu.memref_slice %arg3[%dma_wait3A_216, %dma_wait3A_217] : memref<1000000x64xf32, #tpu.memory_space<hbm>> -> memref<1000000x64xf32, #tpu.memory_space<hbm>>
    tpu.wait_indirect_dma semaphore(%arg25 : memref<!tpu.dma_semaphore, #tpu.memory_space<semaphore_mem>>) src(%dma_wait3A_218 : memref<1000000x64xf32, #tpu.memory_space<hbm>>) dst(%arg15 : memref<128x64xf32, #tpu.memory_space<vmem>>)
    %add3A_219 = arith.constant 6272 : i32
    %add3A_220 = arith.addi %mul3A_2, %add3A_219 : i32
    %dma_start3A_221 = arith.constant 0 : i32
    %dma_start3A_222 = tpu.memref_slice %arg4[%add3A_220, %dma_start3A_221] : memref<204800x64xf32, #tpu.memory_space<hbm>> -> memref<128x64xf32, #tpu.memory_space<hbm>>
    %dma_start3A_223 = arith.constant 0 : i32
    %dma_start3A_224 = tpu.memref_slice %arg4[%add3A_220, %dma_start3A_223] : memref<204800x64xf32, #tpu.memory_space<hbm>> -> memref<128x64xf32, #tpu.memory_space<hbm>>
    tpu.enqueue_dma source(%arg15 : memref<128x64xf32, #tpu.memory_space<vmem>>) target(%dma_start3A_224 : memref<128x64xf32, #tpu.memory_space<hbm>>) target_semaphore(%arg35 : memref<!tpu.dma_semaphore, #tpu.memory_space<semaphore_mem>>)
    %dma_wait3A_225 = arith.constant 0 : i32
    %dma_wait3A_226 = tpu.memref_slice %arg4[%mul3A_2, %dma_wait3A_225] : memref<204800x64xf32, #tpu.memory_space<hbm>> -> memref<128x64xf32, #tpu.memory_space<hbm>>
    %dma_wait3A_227 = arith.constant 0 : i32
    %dma_wait3A_228 = tpu.memref_slice %arg4[%mul3A_2, %dma_wait3A_227] : memref<204800x64xf32, #tpu.memory_space<hbm>> -> memref<128x64xf32, #tpu.memory_space<hbm>>
    tpu.wait_dma2 semaphore(%arg31 : memref<!tpu.dma_semaphore, #tpu.memory_space<semaphore_mem>>) src(%arg11 : memref<128x64xf32, #tpu.memory_space<vmem>>) dst(%dma_wait3A_228 : memref<128x64xf32, #tpu.memory_space<hbm>>)
    %dma_wait3A_229 = arith.constant 0 : i32
    %dma_wait3A_230 = tpu.memref_slice %arg4[%mul3A_2, %dma_wait3A_229] : memref<204800x64xf32, #tpu.memory_space<hbm>> -> memref<128x64xf32, #tpu.memory_space<hbm>>
    %dma_wait3A_231 = arith.constant 0 : i32
    %dma_wait3A_232 = tpu.memref_slice %arg4[%mul3A_2, %dma_wait3A_231] : memref<204800x64xf32, #tpu.memory_space<hbm>> -> memref<128x64xf32, #tpu.memory_space<hbm>>
    tpu.wait_dma2 semaphore(%arg32 : memref<!tpu.dma_semaphore, #tpu.memory_space<semaphore_mem>>) src(%arg12 : memref<128x64xf32, #tpu.memory_space<vmem>>) dst(%dma_wait3A_232 : memref<128x64xf32, #tpu.memory_space<hbm>>)
    %dma_wait3A_233 = arith.constant 0 : i32
    %dma_wait3A_234 = tpu.memref_slice %arg4[%mul3A_2, %dma_wait3A_233] : memref<204800x64xf32, #tpu.memory_space<hbm>> -> memref<128x64xf32, #tpu.memory_space<hbm>>
    %dma_wait3A_235 = arith.constant 0 : i32
    %dma_wait3A_236 = tpu.memref_slice %arg4[%mul3A_2, %dma_wait3A_235] : memref<204800x64xf32, #tpu.memory_space<hbm>> -> memref<128x64xf32, #tpu.memory_space<hbm>>
    tpu.wait_dma2 semaphore(%arg33 : memref<!tpu.dma_semaphore, #tpu.memory_space<semaphore_mem>>) src(%arg13 : memref<128x64xf32, #tpu.memory_space<vmem>>) dst(%dma_wait3A_236 : memref<128x64xf32, #tpu.memory_space<hbm>>)
    %dma_wait3A_237 = arith.constant 0 : i32
    %dma_wait3A_238 = tpu.memref_slice %arg4[%mul3A_2, %dma_wait3A_237] : memref<204800x64xf32, #tpu.memory_space<hbm>> -> memref<128x64xf32, #tpu.memory_space<hbm>>
    %dma_wait3A_239 = arith.constant 0 : i32
    %dma_wait3A_240 = tpu.memref_slice %arg4[%mul3A_2, %dma_wait3A_239] : memref<204800x64xf32, #tpu.memory_space<hbm>> -> memref<128x64xf32, #tpu.memory_space<hbm>>
    tpu.wait_dma2 semaphore(%arg34 : memref<!tpu.dma_semaphore, #tpu.memory_space<semaphore_mem>>) src(%arg14 : memref<128x64xf32, #tpu.memory_space<vmem>>) dst(%dma_wait3A_240 : memref<128x64xf32, #tpu.memory_space<hbm>>)
    %dma_wait3A_241 = arith.constant 0 : i32
    %dma_wait3A_242 = tpu.memref_slice %arg4[%mul3A_2, %dma_wait3A_241] : memref<204800x64xf32, #tpu.memory_space<hbm>> -> memref<128x64xf32, #tpu.memory_space<hbm>>
    %dma_wait3A_243 = arith.constant 0 : i32
    %dma_wait3A_244 = tpu.memref_slice %arg4[%mul3A_2, %dma_wait3A_243] : memref<204800x64xf32, #tpu.memory_space<hbm>> -> memref<128x64xf32, #tpu.memory_space<hbm>>
    tpu.wait_dma2 semaphore(%arg35 : memref<!tpu.dma_semaphore, #tpu.memory_space<semaphore_mem>>) src(%arg15 : memref<128x64xf32, #tpu.memory_space<vmem>>) dst(%dma_wait3A_244 : memref<128x64xf32, #tpu.memory_space<hbm>>)
    return
  }
}

</mosaic_0001>

<sc_bundles>
// kernel: kernel.3.cloned.1.call-start
scs
__scs_entry_jumppad:
0x0: {  	(pc) =	sbr.rel $0x88, $3  }
0x1: {  	(tag) =	ssettag $0x0;
	lr =	simm.s32 $0x1  }
0x2: {  	[smem:$0x3F9F] =	sst lr;
	_ =	strace $0xD0000000  }
0x3: {  	_ = 	snop  }
0x4: {  	_ = 	snop  }
0x5: {  	_ = 	snop  }
0x6: {  	_ = 	snop  }
0x7: {  	_ = 	snop  }
__scs_overlays_trampoline_lowered:
0x8: {  	[smem:$0x3FAE] =	sst s0  }
0x9: {  	[smem:$0x3FAF] =	sst s1  }
0xa: {  	[smem:$0x3FB0] =	sst s2  }
0xb: {  	[smem:$0x3FB1] =	sst s3  }
0xc: {  	[smem:$0x3FB2] =	sst s4  }
0xd: {  	[smem:$0x3FB3] =	sst s5  }
0xe: {  	[smem:$0x3FB4] =	sst s6  }
0xf: {  	[smem:$0x3FB5] =	sst s7  }
0x10: {  	[smem:$0x3FB6] =	sst s8  }
0x11: {  	[smem:$0x3FB7] =	sst s9;
	s0 =	simm.s32 @!p0 $0x0  }
0x12: {  	s1 =	sld [smem:$0x3F9D];
	s0 =	simm.s32 @p0 $0x1  }
0x13: {  	[smem:$0x3FB8] =	sst s0;
	s0 =	simm.s32 @!p1 $0x0  }
0x14: {  	s2 =	sld [smem:$0x3F9C];
	s0 =	simm.s32 @p1 $0x1  }
0x15: {  	[smem:$0x3FB9] =	sst s0;
	s0 =	simm.s32 @!p2 $0x0  }
0x16: {  	s3 =	sld [smem:$0x3FDB];
	s0 =	simm.s32 @p2 $0x1  }
0x17: {  	s4 =	simm.s32 $0x1BF5;
	[smem:$0x3FBB] =	sst s0  }
0x18: {  	s0 =	sld [smem:$0x3F9E];
	_ =	swait.ge [sflag:s4], $0x0  }
0x19: {  	s7 =	sld [smem:$0x3F9F]  }
0x1a: {  	s8 =	sadd.s32 $0xFFFFE003, lr  }
0x1b: {  	s9 =	sadd.s32 $0xFFFFFEF7, lr;
	s5 =	simm.s32 $0xFFFFFFFF;
	p2 =	slt.u32 s8, $0xFFFFF086  }
0x1c: {  	p1 =	slt.u32 s9, $0xF7A;
	s5 =	simm.s32 @!p2 $0x0  }
0x1d: {  	s5 =	simm.s32 @p1 $0x1;
	p0 =	seq.s32 s7, s2  }
0x1e: {  	s7 =	smul.u32 @!p0 $0xF7A, s2;
	p2 =	seq.s32 @!p0 s5, $0x0  }
0x1f: {  	s9 =	smul.u32 $0xF7A, s1;
	s8 =	simm.s32 @!p0 $0x1BF5;
	p2 =	por !p2, p0  }
0x20: {  	[sflag:s8] =	ssyncset.s32 @!p0 $0xFFFFF086;
	s6 =	sadd.s32 @!p0 s3, s7;
	s7 =	simm.s32 @!p0 $0x108  }
0x21: {  	s3 =	sadd.s32 s3, s9;
	s6 =	sadd.s32 @!p0 $0x88, s6;
	s7 =	simm.s32 @p2 $0x1082  }
0x22: {  	[simem:s7], [sflag:s8] =	dma.local @!p0 [hbm:s6], $0xF7A  }
0x23: {  	s9 =	sor.u32 $0xD0000000, s2;
	s6 =	simm.s32 $0x108;
	_ =	swait.ge @!p0 [sflag:s8], $0x0  }
0x24: {  	s3 =	sadd.s32 $0x88, s3;
	s6 =	simm.s32 @!p1 $0x1082;
	[sflag:s4] =	ssyncset.s32 $0xFFFFF086  }
0x25: {  	[simem:s6], [sflag:s4] =	dma.local [hbm:s3], $0xF7A  }
0x26: {  	[smem:$0x3F9F] =	sst s1;
	(tag) =	ssettag s2;
	_ =	strace s9  }
0x27: {  	s1 =	sld [smem:$0x3FAF]  }
0x28: {  	s2 =	sld [smem:$0x3FB0]  }
0x29: {  	s4 =	sld [smem:$0x3FB2]  }
0x2a: {  	p0 =	seq.s32 s5, $0x0;
	s5 =	sld [smem:$0x3FB3]  }
0x2b: {  	s6 =	sld [smem:$0x3FB4]  }
0x2c: {  	s7 =	sld [smem:$0x3FB5]  }
0x2d: {  	s3 =	simm.s32 $0x108;
	s8 =	sld [smem:$0x3FB6]  }
0x2e: {  	s3 =	simm.s32 @!p0 $0x1082;
	s9 =	sld [smem:$0x3FB7]  }
0x2f: {  	lr =	sadd.s32 s0, s3;
	s0 =	sld [smem:$0x3FAE]  }
0x30: {  	s3 =	sld [smem:$0x3FB1]  }
0x31: {  	[smem:$0x3FBA] =	sst s10  }
0x32: {  	s10 =	sld [smem:$0x3FB8];
	_ =	sdelay $0x3  }
0x33: {  	p0 =	seq.s32 s10, $0x1;
	s10 =	sld [smem:$0x3FBA];
	_ =	sdelay $0x3  }
0x34: {  	[smem:$0x3FBA] =	sst s10  }
0x35: {  	s10 =	sld [smem:$0x3FB9];
	_ =	sdelay $0x3  }
0x36: {  	p1 =	seq.s32 s10, $0x1;
	s10 =	sld [smem:$0x3FBA];
	_ =	sdelay $0x3  }
0x37: {  	[smem:$0x3FBA] =	sst s10  }
0x38: {  	s10 =	sld [smem:$0x3FBB]  }
0x39: {  	_ = 	snop;
	(pc) =	sbr.ind lr, $3  }
0x3a: {  	_ = 	snop  }
0x3b: {  	_ = 	snop  }
0x3c: {  	p2 =	seq.s32 s10, $0x1;
	s10 =	sld [smem:$0x3FBA]  }
0x3d: {  	_ =	shalt  }
0x3e: {  	_ =	shalt  }
0x3f: {  	_ =	shalt  }
0x40: {  	_ =	shalt  }
0x41: {  	_ =	shalt  }
0x42: {  	_ =	shalt  }
0x43: {  	_ =	shalt  }
0x44: {  	_ =	shalt  }
0x45: {  	_ =	shalt  }
0x46: {  	_ =	shalt  }
0x47: {  	_ =	shalt  }
0x48: {  	_ =	shalt  }
0x49: {  	_ =	shalt  }
0x4a: {  	_ =	shalt  }
0x4b: {  	_ =	shalt  }
0x4c: {  	_ =	shalt  }
0x4d: {  	_ =	shalt  }
0x4e: {  	_ =	shalt  }
0x4f: {  	_ =	shalt  }
0x50: {  	_ =	shalt  }
0x51: {  	_ =	shalt  }
0x52: {  	_ =	shalt  }
0x53: {  	_ =	shalt  }
0x54: {  	_ =	shalt  }
0x55: {  	_ =	shalt  }
0x56: {  	_ =	shalt  }
0x57: {  	_ =	shalt  }
0x58: {  	_ =	shalt  }
0x59: {  	_ =	shalt  }
0x5a: {  	_ =	shalt  }
0x5b: {  	_ =	shalt  }
0x5c: {  	_ =	shalt  }
0x5d: {  	_ =	shalt  }
0x5e: {  	_ =	shalt  }
0x5f: {  	_ =	shalt  }
0x60: {  	_ =	shalt  }
0x61: {  	_ =	shalt  }
0x62: {  	_ =	shalt  }
0x63: {  	_ =	shalt  }
0x64: {  	_ =	shalt  }
0x65: {  	_ =	shalt  }
0x66: {  	_ =	shalt  }
0x67: {  	_ =	shalt  }
0x68: {  	_ =	shalt  }
0x69: {  	_ =	shalt  }
0x6a: {  	_ =	shalt  }
0x6b: {  	_ =	shalt  }
0x6c: {  	_ =	shalt  }
0x6d: {  	_ =	shalt  }
0x6e: {  	_ =	shalt  }
0x6f: {  	_ =	shalt  }
0x70: {  	_ =	shalt  }
0x71: {  	_ =	shalt  }
0x72: {  	_ =	shalt  }
0x73: {  	_ =	shalt  }
0x74: {  	_ =	shalt  }
0x75: {  	_ =	shalt  }
0x76: {  	_ =	shalt  }
0x77: {  	_ =	shalt  }
0x78: {  	_ =	shalt  }
0x79: {  	_ =	shalt  }
0x7a: {  	_ =	shalt  }
0x7b: {  	_ =	shalt  }
0x7c: {  	_ =	shalt  }
0x7d: {  	_ =	shalt  }
0x7e: {  	_ =	shalt  }
0x7f: {  	_ =	shalt  }
0x80: {  	_ =	shalt  }
0x81: {  	_ =	shalt  }
0x82: {  	_ =	shalt  }
0x83: {  	_ =	shalt  }
0x84: {  	_ =	shalt  }
0x85: {  	_ =	shalt  }
0x86: {  	_ =	shalt  }
0x87: {  	_ =	shalt  }
.Lfunc_end0:
.L_simem_size_0:
called_computation.1_lowered:
.L_overlay_start_0:
0x88: {  	s2 =	sld [smem:$0x3FD9]  }
0x89: {  	s3 =	sld [smem:$0x3FFE];
	_ =	sdelay $0x1  }
0x8a: {  	s1 =	srdreg.scid  }
0x8b: {  	s0 =	sand.u32 $0x1, s1  }
0x8c: {  	s17 =	sshll.u32 s0, $0xA;
	s2 =	sadd.s32 s3, s2  }
0x8d: {  	s2 =	sadd.s32 s2, s17  }
0x8e: {  	[smem:$0x3FC6] =	sst s2  }
0x8f: {  	_ = 	snop  }
0x90: {  	s2 =	sld [smem:$0x3FD0];
	(tm) =	ssettm $0x1  }
0x91: {  	s18 =	sld [smem:$0x3FFB];
	_ =	sdelay $0x3  }
0x92: {  	_ =	strace s18  }
0x93: {  	s3 =	sld [smem:$0x3FFC];
	_ =	sdelay $0x3  }
0x94: {  	_ =	strace s3  }
0x95: {  	s3 =	sld [smem:$0x3FFD];
	_ =	sdelay $0x3  }
0x96: {  	_ =	strace s3  }
0x97: {  	_ =	strace $0x8FFFFFFF  }
0x98: {  	s19 =	sld [smem:$0x3FDB];
	_ =	sdelay $0x1  }
0x99: {  	s4 =	simm.s32 $_scs_section_size  }
0x9a: {  	s5 =	simm.s32 $_size__tile_overlayer_lowered;
	s6 =	simm.s32 $_tile_overlayer_lowered  }
0x9b: {  	s22 =	simm.s32 $0x1BFF;
	s21 =	sshll.u32 s6, $0x1;
	s3 =	sadd.s32 s4, s19  }
0x9c: {  	s7 =	simm.s32 $0x0;
	s20 =	sshll.u32 s5, $0x1;
	s5 =	sadd.s32 s21, s3  }
0x9d: {  	[timem:s7], [sflag:s22] =	dma.local [hbm:s5], s20  }
0x9e: {  	_ =	swait.ge [sflag:s22], s20  }
0x9f: {  	s4 =	ssub.s32 $0x0, s20;
	[sflag:s22] =	ssyncset.done $0x0  }
0xa0: {  	[sflag:s22] =	ssyncadd.s32 s4;
	_ =	sdelay $0x1  }
0xa1: {  	s23 =	simm.s32 $0x1B8B  }
0xa2: {  	_ =	swait.ge [sflag:s23], $0x1  }
0xa3: {  	[sflag:s23] =	ssyncset.done $0x0  }
0xa4: {  	s25 =	simm.s32 $0x1B8E;
	s24 =	sld [smem:$0x3FFE];
	[sflag:s23] =	ssyncadd.s32 $0xFFFFFFFF  }
0xa5: {  	s26 =	simm.s32 $execute0_lowered;
	[smem:$0x3FD2] =	sst s25  }
0xa6: {  	s5 =	sshll.u32 s26, $0x1;
	_ =	strace $0x80000046;
	[dreg:$0x1] =	wrdreg $0xFFFFFFFF  }
0xa7: {  	s28 =	simm.s32 $_size_execute0_lowered;
	s3 =	sadd.s32 s3, s5;
	[dreg:$0x0] =	wrdreg $0x0  }
0xa8: {  	s5 =	sshll.u32 s28, $0x1;
	[dreg:$0x2] =	wrdreg s3  }
0xa9: {  	[dreg:$0x3] =	wrdreg s5  }
0xaa: {  	[dreg:$0x4] =	wrdreg $0xC0  }
0xab: {  	_ =	task [dreg:s7], $0x5FFFF  }
0xac: {  	[dreg:$0x1] =	wrdreg $0xFFFFFFFF  }
0xad: {  	[dreg:$0x0] =	wrdreg $0x60  }
0xae: {  	[dreg:$0x2] =	wrdreg s24  }
0xaf: {  	[dreg:$0x3] =	wrdreg s2  }
0xb0: {  	[dreg:$0x4] =	wrdreg $0x9  }
0xb1: {  	_ =	task.clear_ibuf [dreg:s7], $0x5FFFF;
	_ =	strace $0x90000046  }
0xb2: {  	s29 =	simm.s32 $0x9;
	_ =	strace $0x80000048  }
0xb3: {  	_ =	swait.ge [sflag:s29], $0x1  }
0xb4: {  	[sflag:s29] =	ssyncadd.s32 $0xFFFFFFFF  }
0xb5: {  	_ =	strace $0x90000048  }
0xb6: {  	_ =	sfence  }
0xb7: {  	s30 =	sld [smem:$0x0];
	_ =	sdelay $0x2  }
0xb8: {  	s31 =	sshll.u32 s1, $0xD;
	s1 =	sshrl.u32 s1, $0x2  }
0xb9: {  	s3 =	sand.u32 $0x4000, s31;
	s1 =	sadd.s32 s1, s30  }
0xba: {  	s0 =	sor.u32 s3, s0;
	s1 =	sshll.u32 s1, $0x11  }
0xbb: {  	s0 =	sor.u32 s1, s0  }
0xbc: {  	s0 =	sadd.s32 $0x8F2B, s0  }
0xbd: {  	[sflag:s0] =	ssyncadd.remote.s32 $0x1  }
0xbe: {  	_ =	sfence.sel $0xFFFF  }
0xbf: {  	[dreg:$0x0] =	wrdreg $0xFFFFFFFF;
	(pc) =	sbr.abs _section_cstart, $3  }
0xc0: {  	[dreg:$0x1] =	wrdreg $0xFFFFFFFF  }
0xc1: {  	_ =	task.clear_ibuf [dreg:s7], $0x2FFFF;
	_ =	strace $0x9FFFFFFF  }
0xc2: {  	(tm) =	ssettm $0x7FFFFFFF  }
0xc3: {  	_ =	shalt  }
tec
execute0_lowered:
.L_overlay_start_1:
0x0: {  	(tag) =	ssettag $0x1  }
0x1: {  	s0 =	srdreg.scid  }
0x2: {  	s6 =	stileid.u32;
	s1 =	rddreg [dreg:$0x0]  }
0x3: {  	s0 =	sand.u32 $0x1, s0;
	s2 =	sshll.u32 s6, $0x1;
	s6 =	smul.u32 $0x3200, s6  }
0x4: {  	s2 =	sor.u32 s0, s2;
	s8 =	ssub.s32 $0x2, s0;
	s0 =	smul.u32 $0x1900, s0  }
0x5: {  	s9 =	rddreg [dreg:$0x1];
	s3 =	simm.s32 $0x0;
	s5 =	smul.u32 $0xC800, s2  }
0x6: {  	s11 =	simm.s32 $0x5;
	s12 =	simm.s32 $0xE;
	[smem:$0x7FF] =	sst s3  }
0x7: {  	_ =	strace $0x80000047;
	s0 =	sadd.s32 s0, s6;
	s5 =	sadd.s32 s9, s5  }
0x8: {  	s0 =	sshll.u32 s0, $0x3;
	[dreg:$0xe] =	wrdreg s5;
	s5 =	sadd.s32 $0x400, s5  }
0x9: {  	s13 =	simm.s32 $0x9;
	s15 =	sadd.s32 $0x2400, s0;
	[dreg:$0xf] =	wrdreg s5  }
0xa: {  	s4 =	smul.u32 $0x1900, s2;
	s17 =	sadd.s32 $0x2000, s0;
	[dreg:$0x3] =	wrdreg s15  }
0xb: {  	s14 =	sshrl.u32 s8, $0x1;
	s19 =	sadd.s32 $0x1C00, s0;
	[dreg:$0x4] =	wrdreg s17  }
0xc: {  	s2 =	smul.u32 $0x64000, s2;
	s21 =	sadd.s32 $0x1800, s0;
	[dreg:$0x5] =	wrdreg s19  }
0xd: {  	s6 =	simm.s32 $0x8;
	s23 =	sadd.s32 $0x1400, s0;
	[dreg:$0x6] =	wrdreg s21  }
0xe: {  	s4 =	sshrl.u32 s4, $0x3;
	s25 =	sadd.s32 $0x3800, s0;
	[dreg:$0x7] =	wrdreg s23  }
0xf: {  	s2 =	sshrl.u32 s2, $0x3;
	s28 =	sadd.s32 $0x3400, s0;
	[dreg:$0x8] =	wrdreg s25  }
0x10: {  	s7 =	sadd.s32 s4, s1;
	s30 =	sadd.s32 $0x3000, s0;
	[dreg:$0x9] =	wrdreg s28  }
0x11: {  	s4 =	sadd.s32 $0xF42E00, s1;
	s31 =	sadd.s32 $0x2C00, s0;
	[dreg:$0xa] =	wrdreg s30  }
0x12: {  	s1 =	ssub.s32 s8, s14;
	s0 =	sadd.s32 $0x2800, s0;
	[dreg:$0xb] =	wrdreg s31  }
0x13: {  	s2 =	sadd.s32 s9, s2;
	s7 =	sadd.s32 $0xA00, s7;
	[dreg:$0xc] =	wrdreg s0  }
0x14: {  	s8 =	simm.s32 $0x3;
	s16 =	sadd.s32 $0x800, s2;
	[dreg:$0xd] =	wrdreg s7  }
0x15: {  	s9 =	simm.s32 $0x4;
	s18 =	sadd.s32 $0xC00, s2;
	[dreg:$0x10] =	wrdreg s16  }
0x16: {  	s14 =	simm.s32 $0xF;
	s20 =	sadd.s32 $0x1000, s2;
	[dreg:$0x11] =	wrdreg s18  }
0x17: {  	s22 =	sadd.s32 $0xB400, s2;
	s24 =	sadd.s32 $0xB800, s2;
	[dreg:$0x12] =	wrdreg s20  }
0x18: {  	s26 =	sadd.s32 $0xBC00, s2;
	s29 =	sadd.s32 $0xC000, s2;
	[dreg:$0x13] =	wrdreg s22  }
0x19: {  	s2 =	sadd.s32 $0xC400, s2;
	s1 =	smax.u32 s1, $0x1;
	[dreg:$0x14] =	wrdreg s24  }
0x1a: {  	s23 =	simm.s32 $0x3900;
	s21 =	simm.s32 $0x1;
	[dreg:$0x15] =	wrdreg s26  }
0x1b: {  	s15 =	simm.s32 $0xA;
	s17 =	simm.s32 $0x11;
	[dreg:$0x16] =	wrdreg s29  }
0x1c: {  	s19 =	simm.s32 $0x13;
	s0 =	simm.s32 $0x0;
	[dreg:$0x17] =	wrdreg s2  }
0x1d: {  	[dreg:$0x18] =	wrdreg s1;
	s18 =	simm.s32 $0x80;
	s1 =	simm.s32 $0x1900  }
0x1e: {  	s24 =	simm.s32 $0x5900;
	s26 =	simm.s32 $0x7900;
	s7 =	simm.s32 $0x2  }
0x1f: {  	s16 =	simm.s32 $0x10;
	s2 =	simm.s32 $0x12;
	s20 =	simm.s32 $0x14  }
.LBB2_1:
0x20: {  	[dreg:$0x19] =	wrdreg s0  }
0x21: {  	s22 =	rddreg [dreg:$0xd];
	s29 =	simm.s32 $0x15  }
0x22: {  	[tilespmem:s3], [sflag:$0x15] =	stream.linear.gather [hbm4b:s22+s3], $0x1900, $0x38;
	[tilespmem:$0x15900] =	vst v63  }
0x23: {  	_ =	swait.ge [sflag:s29], $0x1900  }
0x24: {  	[sflag:s29] =	ssyncset.done $0x0  }
0x25: {  	[sflag:s29] =	ssyncadd.s32 $0xFFFFE700  }
0x26: {  	[tilespmem:s1], [sflag:$0x1] =	stream.indirect.gather [hbm4b:s4+s18], $0x40, s3, s18, $0xb8;
	[tilespmem:$0x15900] =	vst v63  }
0x27: {  	_ = 	snop  }
0x28: {  	[tilespmem:s23], [sflag:$0x2] =	stream.indirect.gather [hbm4b:s4+s18], $0x40, s18, s18, $0xb8;
	[tilespmem:$0x15900] =	vst v63  }
0x29: {  	s30 =	simm.s32 $0x100  }
0x2a: {  	[tilespmem:s24], [sflag:$0x3] =	stream.indirect.gather [hbm4b:s4+s18], $0x40, s30, s18, $0xb8;
	[tilespmem:$0x15900] =	vst v63  }
0x2b: {  	s0 =	simm.s32 $0x180  }
0x2c: {  	[tilespmem:s26], [sflag:$0x4] =	stream.indirect.gather [hbm4b:s4+s18], $0x40, s0, s18, $0xb8;
	[tilespmem:$0x15900] =	vst v63  }
0x2d: {  	s5 =	simm.s32 $0x200;
	s0 =	simm.s32 $0x9900  }
0x2e: {  	[tilespmem:s0], [sflag:$0x5] =	stream.indirect.gather [hbm4b:s4+s18], $0x40, s5, s18, $0xb8;
	[tilespmem:$0x15900] =	vst v63  }
0x2f: {  	s10 =	simm.s32 $0x280;
	s25 =	simm.s32 $0xB900  }
0x30: {  	[tilespmem:s25], [sflag:$0x6] =	stream.indirect.gather [hbm4b:s4+s18], $0x40, s10, s18, $0xb8;
	[tilespmem:$0x15900] =	vst v63  }
0x31: {  	_ =	swait.ge [sflag:s21], $0x2000  }
0x32: {  	[sflag:s21] =	ssyncset.done $0x0  }
0x33: {  	s29 =	rddreg [dreg:$0xe];
	[sflag:s21] =	ssyncadd.s32 $0xFFFFE000  }
0x34: {  	[hbm4b:s29+s3] =	stream.linear.scatter [tilespmem:s1], [sflag:$0xB], $0x2000, $0x38;
	[tilespmem:$0x15900] =	vst v63  }
0x35: {  	s30 =	simm.s32 $0x300;
	s5 =	simm.s32 $0xD900  }
0x36: {  	[tilespmem:s5], [sflag:$0x7] =	stream.indirect.gather [hbm4b:s4+s18], $0x40, s30, s18, $0xb8;
	[tilespmem:$0x15900] =	vst v63  }
0x37: {  	_ =	swait.ge [sflag:s7], $0x2000  }
0x38: {  	[sflag:s7] =	ssyncset.done $0x0  }
0x39: {  	s10 =	rddreg [dreg:$0xf];
	[sflag:s7] =	ssyncadd.s32 $0xFFFFE000  }
0x3a: {  	[hbm4b:s10+s3] =	stream.linear.scatter [tilespmem:s23], [sflag:$0xC], $0x2000, $0x38;
	[tilespmem:$0x15900] =	vst v63  }
0x3b: {  	s28 =	simm.s32 $0xF900;
	s29 =	simm.s32 $0x380  }
0x3c: {  	[tilespmem:s28], [sflag:$0x8] =	stream.indirect.gather [hbm4b:s4+s18], $0x40, s29, s18, $0xb8;
	[tilespmem:$0x15900] =	vst v63  }
0x3d: {  	_ =	swait.ge [sflag:s8], $0x2000  }
0x3e: {  	[sflag:s8] =	ssyncset.done $0x0  }
0x3f: {  	s30 =	rddreg [dreg:$0x10];
	[sflag:s8] =	ssyncadd.s32 $0xFFFFE000  }
0x40: {  	[hbm4b:s30+s3] =	stream.linear.scatter [tilespmem:s24], [sflag:$0xD], $0x2000, $0x38;
	[tilespmem:$0x15900] =	vst v63  }
0x41: {  	s10 =	simm.s32 $0x400;
	s30 =	simm.s32 $0x11900  }
0x42: {  	[tilespmem:s30], [sflag:$0x9] =	stream.indirect.gather [hbm4b:s4+s18], $0x40, s10, s18, $0xb8;
	[tilespmem:$0x15900] =	vst v63  }
0x43: {  	_ =	swait.ge [sflag:s9], $0x2000  }
0x44: {  	[sflag:s9] =	ssyncset.done $0x0  }
0x45: {  	s29 =	rddreg [dreg:$0x11];
	[sflag:s9] =	ssyncadd.s32 $0xFFFFE000  }
0x46: {  	[hbm4b:s29+s3] =	stream.linear.scatter [tilespmem:s26], [sflag:$0xE], $0x2000, $0x38;
	[tilespmem:$0x15900] =	vst v63  }
0x47: {  	s31 =	simm.s32 $0x13900;
	s10 =	simm.s32 $0x480  }
0x48: {  	[tilespmem:s31], [sflag:$0xA] =	stream.indirect.gather [hbm4b:s4+s18], $0x40, s10, s18, $0xb8;
	[tilespmem:$0x15900] =	vst v63  }
0x49: {  	_ =	swait.ge [sflag:s11], $0x2000  }
0x4a: {  	[sflag:s11] =	ssyncset.done $0x0  }
0x4b: {  	s29 =	simm.s32 $0xB;
	s10 =	rddreg [dreg:$0x12];
	[sflag:s11] =	ssyncadd.s32 $0xFFFFE000  }
0x4c: {  	[hbm4b:s10+s3] =	stream.linear.scatter [tilespmem:s0], [sflag:$0xF], $0x2000, $0x38;
	[tilespmem:$0x15900] =	vst v63  }
0x4d: {  	_ =	swait.ge [sflag:s29], $0x2000  }
0x4e: {  	[sflag:s29] =	ssyncset.done $0x0  }
0x4f: {  	s10 =	simm.s32 $0x500;
	[sflag:s29] =	ssyncadd.s32 $0xFFFFE000;
	s29 =	simm.s32 $0x6  }
0x50: {  	[tilespmem:s1], [sflag:$0x1] =	stream.indirect.gather [hbm4b:s4+s18], $0x40, s10, s18, $0xb8;
	[tilespmem:$0x15900] =	vst v63  }
0x51: {  	_ =	swait.ge [sflag:s29], $0x2000  }
0x52: {  	[sflag:s29] =	ssyncset.done $0x0  }
0x53: {  	s22 =	rddreg [dreg:$0x7];
	[sflag:s29] =	ssyncadd.s32 $0xFFFFE000  }
0x54: {  	s29 =	rddreg [dreg:$0x1]  }
0x55: {  	s22 =	sadd.s32 s29, s22  }
0x56: {  	[hbm4b:s22+s3] =	stream.linear.scatter [tilespmem:s25], [sflag:$0x10], $0x2000, $0x38;
	[tilespmem:$0x15900] =	vst v63  }
0x57: {  	s22 =	simm.s32 $0xC  }
0x58: {  	_ =	swait.ge [sflag:s22], $0x2000  }
0x59: {  	[sflag:s22] =	ssyncset.done $0x0  }
0x5a: {  	s10 =	simm.s32 $0x580;
	[sflag:s22] =	ssyncadd.s32 $0xFFFFE000  }
0x5b: {  	[tilespmem:s23], [sflag:$0x2] =	stream.indirect.gather [hbm4b:s4+s18], $0x40, s10, s18, $0xb8;
	[tilespmem:$0x15900] =	vst v63  }
0x5c: {  	s10 =	simm.s32 $0x7  }
0x5d: {  	_ =	swait.ge [sflag:s10], $0x2000  }
0x5e: {  	s22 =	rddreg [dreg:$0x6];
	[sflag:s10] =	ssyncset.done $0x0  }
0x5f: {  	[sflag:s10] =	ssyncadd.s32 $0xFFFFE000;
	s22 =	sadd.s32 s29, s22  }
0x60: {  	[hbm4b:s22+s3] =	stream.linear.scatter [tilespmem:s5], [sflag:$0x11], $0x2000, $0x38;
	[tilespmem:$0x15900] =	vst v63  }
0x61: {  	s22 =	simm.s32 $0xD  }
0x62: {  	_ =	swait.ge [sflag:s22], $0x2000  }
0x63: {  	[sflag:s22] =	ssyncset.done $0x0  }
0x64: {  	s10 =	simm.s32 $0x600;
	[sflag:s22] =	ssyncadd.s32 $0xFFFFE000  }
0x65: {  	[tilespmem:s24], [sflag:$0x3] =	stream.indirect.gather [hbm4b:s4+s18], $0x40, s10, s18, $0xb8;
	[tilespmem:$0x15900] =	vst v63  }
0x66: {  	_ =	swait.ge [sflag:s6], $0x2000  }
0x67: {  	s10 =	rddreg [dreg:$0x5];
	[sflag:s6] =	ssyncset.done $0x0  }
0x68: {  	[sflag:s6] =	ssyncadd.s32 $0xFFFFE000;
	s22 =	sadd.s32 s29, s10  }
0x69: {  	[hbm4b:s22+s3] =	stream.linear.scatter [tilespmem:s28], [sflag:$0x12], $0x2000, $0x38;
	[tilespmem:$0x15900] =	vst v63  }
0x6a: {  	_ =	swait.ge [sflag:s12], $0x2000  }
0x6b: {  	[sflag:s12] =	ssyncset.done $0x0  }
0x6c: {  	s10 =	simm.s32 $0x680;
	[sflag:s12] =	ssyncadd.s32 $0xFFFFE000  }
0x6d: {  	[tilespmem:s26], [sflag:$0x4] =	stream.indirect.gather [hbm4b:s4+s18], $0x40, s10, s18, $0xb8;
	[tilespmem:$0x15900] =	vst v63  }
0x6e: {  	_ =	swait.ge [sflag:s13], $0x2000  }
0x6f: {  	s10 =	rddreg [dreg:$0x4];
	[sflag:s13] =	ssyncset.done $0x0  }
0x70: {  	[sflag:s13] =	ssyncadd.s32 $0xFFFFE000;
	s22 =	sadd.s32 s29, s10  }
0x71: {  	[hbm4b:s22+s3] =	stream.linear.scatter [tilespmem:s30], [sflag:$0x13], $0x2000, $0x38;
	[tilespmem:$0x15900] =	vst v63  }
0x72: {  	_ =	swait.ge [sflag:s14], $0x2000  }
0x73: {  	[sflag:s14] =	ssyncset.done $0x0  }
0x74: {  	s10 =	simm.s32 $0x700;
	[sflag:s14] =	ssyncadd.s32 $0xFFFFE000  }
0x75: {  	[tilespmem:s0], [sflag:$0x5] =	stream.indirect.gather [hbm4b:s4+s18], $0x40, s10, s18, $0xb8;
	[tilespmem:$0x15900] =	vst v63  }
0x76: {  	_ =	swait.ge [sflag:s15], $0x2000  }
0x77: {  	s0 =	rddreg [dreg:$0x3];
	[sflag:s15] =	ssyncset.done $0x0  }
0x78: {  	[sflag:s15] =	ssyncadd.s32 $0xFFFFE000;
	s22 =	sadd.s32 s29, s0  }
0x79: {  	[hbm4b:s22+s3] =	stream.linear.scatter [tilespmem:s31], [sflag:$0x14], $0x2000, $0x38;
	[tilespmem:$0x15900] =	vst v63  }
0x7a: {  	_ =	swait.ge [sflag:s16], $0x2000  }
0x7b: {  	[sflag:s16] =	ssyncset.done $0x0  }
0x7c: {  	s10 =	simm.s32 $0x780;
	[sflag:s16] =	ssyncadd.s32 $0xFFFFE000  }
0x7d: {  	[tilespmem:s25], [sflag:$0x6] =	stream.indirect.gather [hbm4b:s4+s18], $0x40, s10, s18, $0xb8;
	[tilespmem:$0x15900] =	vst v63  }
0x7e: {  	_ =	swait.ge [sflag:s21], $0x2000  }
0x7f: {  	s0 =	rddreg [dreg:$0xc];
	[sflag:s21] =	ssyncset.done $0x0  }
0x80: {  	[sflag:s21] =	ssyncadd.s32 $0xFFFFE000;
	s22 =	sadd.s32 s29, s0  }
0x81: {  	[hbm4b:s22+s3] =	stream.linear.scatter [tilespmem:s1], [sflag:$0xB], $0x2000, $0x38;
	[tilespmem:$0x15900] =	vst v63  }
0x82: {  	_ =	swait.ge [sflag:s17], $0x2000  }
0x83: {  	[sflag:s17] =	ssyncset.done $0x0  }
0x84: {  	s1 =	simm.s32 $0x800;
	[sflag:s17] =	ssyncadd.s32 $0xFFFFE000  }
0x85: {  	[tilespmem:s5], [sflag:$0x7] =	stream.indirect.gather [hbm4b:s4+s18], $0x40, s1, s18, $0xb8;
	[tilespmem:$0x15900] =	vst v63  }
0x86: {  	_ =	swait.ge [sflag:s7], $0x2000  }
0x87: {  	s10 =	rddreg [dreg:$0xb];
	[sflag:s7] =	ssyncset.done $0x0  }
0x88: {  	[sflag:s7] =	ssyncadd.s32 $0xFFFFE000;
	s22 =	sadd.s32 s29, s10  }
0x89: {  	[hbm4b:s22+s3] =	stream.linear.scatter [tilespmem:s23], [sflag:$0xC], $0x2000, $0x38;
	[tilespmem:$0x15900] =	vst v63  }
0x8a: {  	_ =	swait.ge [sflag:s2], $0x2000  }
0x8b: {  	[sflag:s2] =	ssyncset.done $0x0  }
0x8c: {  	s21 =	simm.s32 $0x880;
	[sflag:s2] =	ssyncadd.s32 $0xFFFFE000  }
0x8d: {  	[tilespmem:s28], [sflag:$0x8] =	stream.indirect.gather [hbm4b:s4+s18], $0x40, s21, s18, $0xb8;
	[tilespmem:$0x15900] =	vst v63  }
0x8e: {  	_ =	swait.ge [sflag:s8], $0x2000  }
0x8f: {  	s23 =	rddreg [dreg:$0xa];
	[sflag:s8] =	ssyncset.done $0x0  }
0x90: {  	[sflag:s8] =	ssyncadd.s32 $0xFFFFE000;
	s22 =	sadd.s32 s29, s23  }
0x91: {  	[hbm4b:s22+s3] =	stream.linear.scatter [tilespmem:s24], [sflag:$0xD], $0x2000, $0x38;
	[tilespmem:$0x15900] =	vst v63  }
0x92: {  	_ =	swait.ge [sflag:s19], $0x2000  }
0x93: {  	[sflag:s19] =	ssyncset.done $0x0  }
0x94: {  	s24 =	simm.s32 $0x900;
	[sflag:s19] =	ssyncadd.s32 $0xFFFFE000  }
0x95: {  	[tilespmem:s30], [sflag:$0x9] =	stream.indirect.gather [hbm4b:s4+s18], $0x40, s24, s18, $0xb8;
	[tilespmem:$0x15900] =	vst v63  }
0x96: {  	_ =	swait.ge [sflag:s9], $0x2000  }
0x97: {  	s25 =	rddreg [dreg:$0x9];
	[sflag:s9] =	ssyncset.done $0x0  }
0x98: {  	[sflag:s9] =	ssyncadd.s32 $0xFFFFE000;
	s22 =	sadd.s32 s29, s25  }
0x99: {  	[hbm4b:s22+s3] =	stream.linear.scatter [tilespmem:s26], [sflag:$0xE], $0x2000, $0x38;
	[tilespmem:$0x15900] =	vst v63  }
0x9a: {  	s1 =	simm.s32 $0x1900;
	_ =	swait.ge [sflag:s20], $0x2000  }
0x9b: {  	s7 =	simm.s32 $0x2;
	s21 =	simm.s32 $0x1;
	[sflag:s20] =	ssyncset.done $0x0  }
0x9c: {  	s28 =	simm.s32 $0x7900;
	s26 =	simm.s32 $0x980;
	[sflag:s20] =	ssyncadd.s32 $0xFFFFE000  }
0x9d: {  	[tilespmem:s31], [sflag:$0xA] =	stream.indirect.gather [hbm4b:s4+s18], $0x40, s26, s18, $0xb8;
	[tilespmem:$0x15900] =	vst v63  }
0x9e: {  	s23 =	simm.s32 $0x3900;
	s24 =	sadd.s32 $0x2800, s29;
	_ =	swait.ge [sflag:s11], $0x2000  }
0x9f: {  	s22 =	simm.s32 $0x1400;
	s30 =	rddreg [dreg:$0x8];
	[sflag:s11] =	ssyncset.done $0x0  }
0xa0: {  	s31 =	simm.s32 $0x5900;
	[sflag:s11] =	ssyncadd.s32 $0xFFFFE000;
	s26 =	sadd.s32 s29, s30  }
.LBB2_2:
0xa1: {  	s0 =	simm.s32 $0x9900;
	s5 =	simm.s32 $0xB  }
0xa2: {  	[hbm4b:s26+s3] =	stream.linear.scatter [tilespmem:s0], [sflag:$0xF], $0x2000, $0x38;
	[tilespmem:$0x15900] =	vst v63  }
0xa3: {  	s11 =	smov.u32 s22;
	_ =	swait.ge [sflag:s5], $0x2000  }
0xa4: {  	s26 =	sshra.s32 s11, $0x2;
	[sflag:s5] =	ssyncset.done $0x0  }
0xa5: {  	s25 =	simm.s32 $0x6;
	s29 =	sadd.s32 $0x500, s26;
	[sflag:s5] =	ssyncadd.s32 $0xFFFFE000  }
0xa6: {  	[tilespmem:s1], [sflag:$0x1] =	stream.indirect.gather [hbm4b:s4+s18], $0x40, s29, s18, $0xb8;
	[tilespmem:$0x15900] =	vst v63  }
0xa7: {  	_ =	swait.ge [sflag:s25], $0x2000  }
0xa8: {  	s8 =	simm.s32 $0xC;
	s29 =	rddreg [dreg:$0x7];
	[sflag:s25] =	ssyncset.done $0x0  }
0xa9: {  	[sflag:s25] =	ssyncadd.s32 $0xFFFFE000;
	s29 =	sadd.s32 s24, s29;
	s25 =	simm.s32 $0xB900  }
0xaa: {  	[hbm4b:s29+s3] =	stream.linear.scatter [tilespmem:s25], [sflag:$0x10], $0x2000, $0x38;
	[tilespmem:$0x15900] =	vst v63  }
0xab: {  	_ =	swait.ge [sflag:s8], $0x2000  }
0xac: {  	[sflag:s8] =	ssyncset.done $0x0  }
0xad: {  	s9 =	simm.s32 $0x7;
	s29 =	sadd.s32 $0x580, s26;
	[sflag:s8] =	ssyncadd.s32 $0xFFFFE000  }
0xae: {  	[tilespmem:s23], [sflag:$0x2] =	stream.indirect.gather [hbm4b:s4+s18], $0x40, s29, s18, $0xb8;
	[tilespmem:$0x15900] =	vst v63  }
0xaf: {  	_ =	swait.ge [sflag:s9], $0x2000  }
0xb0: {  	s5 =	simm.s32 $0xD900;
	s29 =	rddreg [dreg:$0x6];
	[sflag:s9] =	ssyncset.done $0x0  }
0xb1: {  	s8 =	simm.s32 $0xD;
	[sflag:s9] =	ssyncadd.s32 $0xFFFFE000;
	s29 =	sadd.s32 s24, s29  }
0xb2: {  	[hbm4b:s29+s3] =	stream.linear.scatter [tilespmem:s5], [sflag:$0x11], $0x2000, $0x38;
	[tilespmem:$0x15900] =	vst v63  }
0xb3: {  	_ =	swait.ge [sflag:s8], $0x2000  }
0xb4: {  	[sflag:s8] =	ssyncset.done $0x0  }
0xb5: {  	s29 =	sadd.s32 $0x600, s26;
	[sflag:s8] =	ssyncadd.s32 $0xFFFFE000  }
0xb6: {  	[tilespmem:s31], [sflag:$0x3] =	stream.indirect.gather [hbm4b:s4+s18], $0x40, s29, s18, $0xb8;
	[tilespmem:$0x15900] =	vst v63  }
0xb7: {  	_ =	swait.ge [sflag:s6], $0x2000  }
0xb8: {  	s29 =	rddreg [dreg:$0x5];
	[sflag:s6] =	ssyncset.done $0x0  }
0xb9: {  	s10 =	simm.s32 $0xF900;
	[sflag:s6] =	ssyncadd.s32 $0xFFFFE000;
	s29 =	sadd.s32 s24, s29  }
0xba: {  	[hbm4b:s29+s3] =	stream.linear.scatter [tilespmem:s10], [sflag:$0x12], $0x2000, $0x38;
	[tilespmem:$0x15900] =	vst v63  }
0xbb: {  	_ =	swait.ge [sflag:s12], $0x2000  }
0xbc: {  	[sflag:s12] =	ssyncset.done $0x0  }
0xbd: {  	s29 =	sadd.s32 $0x680, s26;
	[sflag:s12] =	ssyncadd.s32 $0xFFFFE000  }
0xbe: {  	[tilespmem:s28], [sflag:$0x4] =	stream.indirect.gather [hbm4b:s4+s18], $0x40, s29, s18, $0xb8;
	[tilespmem:$0x15900] =	vst v63  }
0xbf: {  	_ =	swait.ge [sflag:s13], $0x2000  }
0xc0: {  	s29 =	rddreg [dreg:$0x4];
	[sflag:s13] =	ssyncset.done $0x0  }
0xc1: {  	s9 =	simm.s32 $0x11900;
	[sflag:s13] =	ssyncadd.s32 $0xFFFFE000;
	s29 =	sadd.s32 s24, s29  }
0xc2: {  	[hbm4b:s29+s3] =	stream.linear.scatter [tilespmem:s9], [sflag:$0x13], $0x2000, $0x38;
	[tilespmem:$0x15900] =	vst v63  }
0xc3: {  	_ =	swait.ge [sflag:s14], $0x2000  }
0xc4: {  	[sflag:s14] =	ssyncset.done $0x0  }
0xc5: {  	s29 =	sadd.s32 $0x700, s26;
	[sflag:s14] =	ssyncadd.s32 $0xFFFFE000  }
0xc6: {  	[tilespmem:s0], [sflag:$0x5] =	stream.indirect.gather [hbm4b:s4+s18], $0x40, s29, s18, $0xb8;
	[tilespmem:$0x15900] =	vst v63  }
0xc7: {  	_ =	swait.ge [sflag:s15], $0x2000  }
0xc8: {  	s29 =	rddreg [dreg:$0x3];
	[sflag:s15] =	ssyncset.done $0x0  }
0xc9: {  	s11 =	simm.s32 $0x13900;
	[sflag:s15] =	ssyncadd.s32 $0xFFFFE000;
	s29 =	sadd.s32 s24, s29  }
0xca: {  	[hbm4b:s29+s3] =	stream.linear.scatter [tilespmem:s11], [sflag:$0x14], $0x2000, $0x38;
	[tilespmem:$0x15900] =	vst v63  }
0xcb: {  	_ =	swait.ge [sflag:s16], $0x2000  }
0xcc: {  	[sflag:s16] =	ssyncset.done $0x0  }
0xcd: {  	s29 =	sadd.s32 $0x780, s26;
	[sflag:s16] =	ssyncadd.s32 $0xFFFFE000  }
0xce: {  	[tilespmem:s25], [sflag:$0x6] =	stream.indirect.gather [hbm4b:s4+s18], $0x40, s29, s18, $0xb8;
	[tilespmem:$0x15900] =	vst v63  }
0xcf: {  	_ =	swait.ge [sflag:s21], $0x2000  }
0xd0: {  	s29 =	rddreg [dreg:$0xc];
	[sflag:s21] =	ssyncset.done $0x0  }
0xd1: {  	[sflag:s21] =	ssyncadd.s32 $0xFFFFE000;
	s29 =	sadd.s32 s24, s29  }
0xd2: {  	[hbm4b:s29+s3] =	stream.linear.scatter [tilespmem:s1], [sflag:$0xB], $0x2000, $0x38;
	[tilespmem:$0x15900] =	vst v63  }
0xd3: {  	_ =	swait.ge [sflag:s17], $0x2000  }
0xd4: {  	[sflag:s17] =	ssyncset.done $0x0  }
0xd5: {  	s29 =	sadd.s32 $0x800, s26;
	[sflag:s17] =	ssyncadd.s32 $0xFFFFE000  }
0xd6: {  	[tilespmem:s5], [sflag:$0x7] =	stream.indirect.gather [hbm4b:s4+s18], $0x40, s29, s18, $0xb8;
	[tilespmem:$0x15900] =	vst v63  }
0xd7: {  	_ =	swait.ge [sflag:s7], $0x2000  }
0xd8: {  	s29 =	rddreg [dreg:$0xb];
	[sflag:s7] =	ssyncset.done $0x0  }
0xd9: {  	[sflag:s7] =	ssyncadd.s32 $0xFFFFE000;
	s29 =	sadd.s32 s24, s29  }
0xda: {  	[hbm4b:s29+s3] =	stream.linear.scatter [tilespmem:s23], [sflag:$0xC], $0x2000, $0x38;
	[tilespmem:$0x15900] =	vst v63  }
0xdb: {  	_ =	swait.ge [sflag:s2], $0x2000  }
0xdc: {  	[sflag:s2] =	ssyncset.done $0x0  }
0xdd: {  	s8 =	simm.s32 $0x3;
	s29 =	sadd.s32 $0x880, s26;
	[sflag:s2] =	ssyncadd.s32 $0xFFFFE000  }
0xde: {  	[tilespmem:s10], [sflag:$0x8] =	stream.indirect.gather [hbm4b:s4+s18], $0x40, s29, s18, $0xb8;
	[tilespmem:$0x15900] =	vst v63  }
0xdf: {  	_ =	swait.ge [sflag:s8], $0x2000  }
0xe0: {  	s29 =	rddreg [dreg:$0xa];
	[sflag:s8] =	ssyncset.done $0x0  }
0xe1: {  	[sflag:s8] =	ssyncadd.s32 $0xFFFFE000;
	s29 =	sadd.s32 s24, s29  }
0xe2: {  	[hbm4b:s29+s3] =	stream.linear.scatter [tilespmem:s31], [sflag:$0xD], $0x2000, $0x38;
	[tilespmem:$0x15900] =	vst v63  }
0xe3: {  	_ =	swait.ge [sflag:s19], $0x2000  }
0xe4: {  	[sflag:s19] =	ssyncset.done $0x0  }
0xe5: {  	s29 =	sadd.s32 $0x900, s26;
	[sflag:s19] =	ssyncadd.s32 $0xFFFFE000  }
0xe6: {  	[tilespmem:s9], [sflag:$0x9] =	stream.indirect.gather [hbm4b:s4+s18], $0x40, s29, s18, $0xb8;
	[tilespmem:$0x15900] =	vst v63  }
0xe7: {  	s9 =	simm.s32 $0x4  }
0xe8: {  	_ =	swait.ge [sflag:s9], $0x2000  }
0xe9: {  	s29 =	rddreg [dreg:$0x9];
	[sflag:s9] =	ssyncset.done $0x0  }
0xea: {  	[sflag:s9] =	ssyncadd.s32 $0xFFFFE000;
	s29 =	sadd.s32 s24, s29  }
0xeb: {  	[hbm4b:s29+s3] =	stream.linear.scatter [tilespmem:s28], [sflag:$0xE], $0x2000, $0x38;
	[tilespmem:$0x15900] =	vst v63  }
0xec: {  	_ =	swait.ge [sflag:s20], $0x2000  }
0xed: {  	[sflag:s20] =	ssyncset.done $0x0  }
0xee: {  	p0 =	sne.s32 s22, $0x3C00;
	s26 =	sadd.s32 $0x980, s26;
	[sflag:s20] =	ssyncadd.s32 $0xFFFFE000  }
0xef: {  	[tilespmem:s11], [sflag:$0xA] =	stream.indirect.gather [hbm4b:s4+s18], $0x40, s26, s18, $0xb8;
	[tilespmem:$0x15900] =	vst v63  }
.Ltmp0:
0xf0: {  	s22 =	sadd.s32 $0x1400, s22;
	s30 =	simm.s32 $0x9900;
	(pc) =	sbr.rel @p0 .LBB2_2-.Ltmp0, $4  }
0xf1: {  	s0 =	simm.s32 $0xB900;
	s25 =	simm.s32 $0xD900;
	s11 =	simm.s32 $0x5  }
0xf2: {  	s5 =	simm.s32 $0xF900;
	s10 =	simm.s32 $0x11900;
	_ =	swait.ge [sflag:s11], $0x2000  }
0xf3: {  	s29 =	simm.s32 $0x13900;
	[sflag:s11] =	ssyncset.done $0x0;
	s26 =	rddreg [dreg:$0x8]  }
0xf4: {  	[sflag:s11] =	ssyncadd.s32 $0xFFFFE000;
	s26 =	sadd.s32 s24, s26;
	s24 =	sadd.s32 $0x2800, s24  }
0xf5: {  	[hbm4b:s26+s3] =	stream.linear.scatter [tilespmem:s30], [sflag:$0xF], $0x2000, $0x38;
	[tilespmem:$0x15900] =	vst v63  }
0xf6: {  	s1 =	simm.s32 $0xB  }
0xf7: {  	_ =	swait.ge [sflag:s1], $0x2000  }
0xf8: {  	[sflag:s1] =	ssyncset.done $0x0  }
0xf9: {  	s7 =	simm.s32 $0x6;
	[sflag:s1] =	ssyncadd.s32 $0xFFFFE000  }
0xfa: {  	_ =	swait.ge [sflag:s7], $0x2000  }
0xfb: {  	[sflag:s7] =	ssyncset.done $0x0  }
0xfc: {  	s21 =	simm.s32 $0xC;
	s22 =	rddreg [dreg:$0x13];
	[sflag:s7] =	ssyncadd.s32 $0xFFFFE000  }
0xfd: {  	[hbm4b:s22+s3] =	stream.linear.scatter [tilespmem:s0], [sflag:$0x10], $0x2000, $0x38;
	[tilespmem:$0x15900] =	vst v63  }
0xfe: {  	_ =	swait.ge [sflag:s21], $0x2000  }
0xff: {  	[sflag:s21] =	ssyncset.done $0x0  }
0x100: {  	s22 =	simm.s32 $0x7;
	[sflag:s21] =	ssyncadd.s32 $0xFFFFE000  }
0x101: {  	_ =	swait.ge [sflag:s22], $0x2000  }
0x102: {  	[sflag:s22] =	ssyncset.done $0x0  }
0x103: {  	s24 =	simm.s32 $0xD;
	s23 =	rddreg [dreg:$0x14];
	[sflag:s22] =	ssyncadd.s32 $0xFFFFE000  }
0x104: {  	[hbm4b:s23+s3] =	stream.linear.scatter [tilespmem:s25], [sflag:$0x11], $0x2000, $0x38;
	[tilespmem:$0x15900] =	vst v63  }
0x105: {  	_ =	swait.ge [sflag:s24], $0x2000  }
0x106: {  	[sflag:s24] =	ssyncset.done $0x0  }
0x107: {  	[sflag:s24] =	ssyncadd.s32 $0xFFFFE000  }
0x108: {  	_ =	swait.ge [sflag:s6], $0x2000  }
0x109: {  	[sflag:s6] =	ssyncset.done $0x0  }
0x10a: {  	s25 =	rddreg [dreg:$0x15];
	[sflag:s6] =	ssyncadd.s32 $0xFFFFE000  }
0x10b: {  	[hbm4b:s25+s3] =	stream.linear.scatter [tilespmem:s5], [sflag:$0x12], $0x2000, $0x38;
	[tilespmem:$0x15900] =	vst v63  }
0x10c: {  	_ =	swait.ge [sflag:s12], $0x2000  }
0x10d: {  	[sflag:s12] =	ssyncset.done $0x0  }
0x10e: {  	[sflag:s12] =	ssyncadd.s32 $0xFFFFE000  }
0x10f: {  	_ =	swait.ge [sflag:s13], $0x2000  }
0x110: {  	[sflag:s13] =	ssyncset.done $0x0  }
0x111: {  	s26 =	rddreg [dreg:$0x16];
	[sflag:s13] =	ssyncadd.s32 $0xFFFFE000  }
0x112: {  	[hbm4b:s26+s3] =	stream.linear.scatter [tilespmem:s10], [sflag:$0x13], $0x2000, $0x38;
	[tilespmem:$0x15900] =	vst v63  }
0x113: {  	_ =	swait.ge [sflag:s14], $0x2000  }
0x114: {  	[sflag:s14] =	ssyncset.done $0x0  }
0x115: {  	[sflag:s14] =	ssyncadd.s32 $0xFFFFE000  }
0x116: {  	_ =	swait.ge [sflag:s15], $0x2000  }
0x117: {  	[sflag:s15] =	ssyncset.done $0x0  }
0x118: {  	s28 =	rddreg [dreg:$0x17];
	[sflag:s15] =	ssyncadd.s32 $0xFFFFE000  }
0x119: {  	[hbm4b:s28+s3] =	stream.linear.scatter [tilespmem:s29], [sflag:$0x14], $0x2000, $0x38;
	[tilespmem:$0x15900] =	vst v63  }
0x11a: {  	_ =	swait.ge [sflag:s16], $0x2000  }
0x11b: {  	[sflag:s16] =	ssyncset.done $0x0  }
0x11c: {  	[sflag:s16] =	ssyncadd.s32 $0xFFFFE000  }
0x11d: {  	_ =	swait.ge [sflag:s17], $0x2000  }
0x11e: {  	[sflag:s17] =	ssyncset.done $0x0  }
0x11f: {  	[sflag:s17] =	ssyncadd.s32 $0xFFFFE000  }
0x120: {  	_ =	swait.ge [sflag:s2], $0x2000  }
0x121: {  	[sflag:s2] =	ssyncset.done $0x0  }
0x122: {  	[sflag:s2] =	ssyncadd.s32 $0xFFFFE000  }
0x123: {  	_ =	swait.ge [sflag:s19], $0x2000  }
0x124: {  	[sflag:s19] =	ssyncset.done $0x0  }
0x125: {  	[sflag:s19] =	ssyncadd.s32 $0xFFFFE000  }
0x126: {  	_ =	swait.ge [sflag:s20], $0x2000  }
0x127: {  	s30 =	rddreg [dreg:$0x19]  }
0x128: {  	s31 =	rddreg [dreg:$0x18];
	s0 =	sadd.s32 $0x1, s30  }
0x129: {  	p0 =	sne.s32 s0, s31  }
.Ltmp1:
0x12a: {  	_ = 	snop;
	(pc) =	sbr.rel @p0 .LBB2_1-.Ltmp1, $4  }
0x12b: {  	_ = 	snop  }
0x12c: {  	s1 =	simm.s32 $0x1900;
	s7 =	simm.s32 $0x2  }
0x12d: {  	s21 =	simm.s32 $0x1;
	s23 =	simm.s32 $0x3900;
	[sflag:s20] =	ssyncset.done $0x0  }
0x12e: {  	s24 =	simm.s32 $0x5900;
	s26 =	simm.s32 $0x7900;
	[sflag:s20] =	ssyncadd.s32 $0xFFFFE000  }
0x12f: {  	_ =	sfence.sel $0x180000  }
0x130: {  	[bflag:$0x0] =	sbarrier.arrive $0xFFFF  }
0x131: {  	_ =	strace $0x90000047  }
0x132: {  	s0 =	stileid.u32;
	[bflag:$0x2] =	sbarrier.arrive $0xFFFF  }
0x133: {  	p0 =	sne.s32 s0, $0x0;
	s0 =	rddreg [dreg:$0x2]  }
0x134: {  	s0 =	sadd.s32 @!p0 $0x100000, s0  }
0x135: {  	[sflag:s0] =	ssyncadd.tile.s32 @!p0 $0x1;
	_ =	shalt  }
.Lfunc_end2:
_tile_overlayer_lowered:
.L_overlay_start_2:
0x136: {  	(tag) =	ssettag $0x2  }
0x137: {  	s0 =	rddreg [dreg:$0x0];
	s2 =	stileid.u32  }
0x138: {  	s1 =	rddreg [dreg:$0x1];
	p0 =	sne.s32 s2, $0x0  }
0x139: {  	s3 =	rddreg [dreg:$0x2];
	[bflag:$0x3] =	sbarrier.arrive $0xFFFF;
	s2 =	simm.s32 @!p0 $0x1C15  }
0x13a: {  	[timem:s3], [sflag:s2] =	dma.local @!p0 [hbm:s0], s1  }
0x13b: {  	s0 =	simm.s32 @!p0 $0x15  }
0x13c: {  	_ =	swait.ge @!p0 [sflag:s0], s1  }
0x13d: {  	s1 =	ssub.s32 @!p0 $0x0, s1;
	[sflag:s0] =	ssyncset.done @!p0 $0x0  }
0x13e: {  	[sflag:s0] =	ssyncadd.s32 @!p0 s1  }
0x13f: {  	[bflag:$0x3] =	sbarrier.arrive $0xFFFF  }
0x140: {  	_ =	shalt  }

// kernel: sparse-core-data-format-call.cloned.1.call-start
scs
called_computation_lowered:
.L_overlay_start_0:
0x0: {  	s2 =	sld [smem:$0x3FD9]  }
0x1: {  	s3 =	sld [smem:$0x3FFE];
	_ =	sdelay $0x1  }
0x2: {  	s1 =	srdreg.scid  }
0x3: {  	s0 =	sand.u32 $0x1, s1  }
0x4: {  	s18 =	sshll.u32 s0, $0xA;
	s2 =	sadd.s32 s3, s2  }
0x5: {  	s2 =	sadd.s32 s2, s18  }
0x6: {  	[smem:$0x3FC6] =	sst s2  }
0x7: {  	_ = 	snop  }
0x8: {  	s2 =	sld [smem:$0x3FD0];
	(tm) =	ssettm $0x1  }
0x9: {  	s19 =	sld [smem:$0x3FFB];
	_ =	sdelay $0x3  }
0xa: {  	_ =	strace s19  }
0xb: {  	s3 =	sld [smem:$0x3FFC];
	_ =	sdelay $0x3  }
0xc: {  	_ =	strace s3  }
0xd: {  	s3 =	sld [smem:$0x3FFD];
	_ =	sdelay $0x3  }
0xe: {  	_ =	strace s3  }
0xf: {  	_ =	strace $0x8FFFFFFF  }
0x10: {  	s20 =	sld [smem:$0x3FDB];
	_ =	sdelay $0x1  }
0x11: {  	s4 =	simm.s32 $_scs_section_size  }
0x12: {  	s5 =	simm.s32 $_size__tile_overlayer_lowered;
	s6 =	simm.s32 $_tile_overlayer_lowered  }
0x13: {  	s23 =	simm.s32 $0x1BFF;
	s22 =	sshll.u32 s6, $0x1;
	s3 =	sadd.s32 s4, s20  }
0x14: {  	s7 =	simm.s32 $0x0;
	s21 =	sshll.u32 s5, $0x1;
	s5 =	sadd.s32 s22, s3  }
0x15: {  	[timem:s7], [sflag:s23] =	dma.local [hbm:s5], s21  }
0x16: {  	_ =	swait.ge [sflag:s23], s21  }
0x17: {  	s4 =	ssub.s32 $0x0, s21;
	[sflag:s23] =	ssyncset.done $0x0  }
0x18: {  	[sflag:s23] =	ssyncadd.s32 s4;
	_ =	sdelay $0x1  }
0x19: {  	s24 =	simm.s32 $0x1B8B  }
0x1a: {  	_ =	swait.ge [sflag:s24], $0x1  }
0x1b: {  	[sflag:s24] =	ssyncset.done $0x0  }
0x1c: {  	s26 =	simm.s32 $0x1B8E;
	s25 =	sld [smem:$0x3FFE];
	[sflag:s24] =	ssyncadd.s32 $0xFFFFFFFF  }
0x1d: {  	s27 =	simm.s32 $execute0_lowered;
	[smem:$0x3FD2] =	sst s26  }
0x1e: {  	s5 =	sshll.u32 s27, $0x1;
	_ =	strace $0x80000049;
	[dreg:$0x1] =	wrdreg $0xFFFFFFFF  }
0x1f: {  	s28 =	simm.s32 $_size_execute0_lowered;
	s3 =	sadd.s32 s3, s5;
	[dreg:$0x0] =	wrdreg $0x0  }
0x20: {  	s5 =	sshll.u32 s28, $0x1;
	[dreg:$0x2] =	wrdreg s3  }
0x21: {  	[dreg:$0x3] =	wrdreg s5  }
0x22: {  	[dreg:$0x4] =	wrdreg $0xC0  }
0x23: {  	_ =	task [dreg:s7], $0x5FFFF  }
0x24: {  	[dreg:$0x1] =	wrdreg $0xFFFFFFFF  }
0x25: {  	[dreg:$0x0] =	wrdreg $0x60  }
0x26: {  	[dreg:$0x2] =	wrdreg s25  }
0x27: {  	[dreg:$0x3] =	wrdreg s2  }
0x28: {  	[dreg:$0x4] =	wrdreg $0x9  }
0x29: {  	_ =	task.clear_ibuf [dreg:s7], $0x5FFFF;
	_ =	strace $0x90000049  }
0x2a: {  	s29 =	simm.s32 $0x9;
	_ =	strace $0x8000004B  }
0x2b: {  	_ =	swait.ge [sflag:s29], $0x1  }
0x2c: {  	[sflag:s29] =	ssyncadd.s32 $0xFFFFFFFF  }
0x2d: {  	_ =	strace $0x9000004B  }
0x2e: {  	_ =	sfence  }
0x2f: {  	s30 =	sld [smem:$0x0];
	_ =	sdelay $0x2  }
0x30: {  	s31 =	sshll.u32 s1, $0xD;
	s1 =	sshrl.u32 s1, $0x2  }
0x31: {  	s3 =	sand.u32 $0x4000, s31;
	s1 =	sadd.s32 s1, s30  }
0x32: {  	s0 =	sor.u32 s3, s0;
	s1 =	sshll.u32 s1, $0x11  }
0x33: {  	s0 =	sor.u32 s1, s0  }
0x34: {  	s0 =	sadd.s32 $0x8F2B, s0  }
0x35: {  	[sflag:s0] =	ssyncadd.remote.s32 $0x1  }
0x36: {  	_ =	sfence.sel $0xFFFF  }
0x37: {  	[dreg:$0x0] =	wrdreg $0xFFFFFFFF;
	(pc) =	sbr.abs _section_cstart, $3  }
0x38: {  	[dreg:$0x1] =	wrdreg $0xFFFFFFFF  }
0x39: {  	_ =	task.clear_ibuf [dreg:s7], $0x2FFFF;
	_ =	strace $0x9FFFFFFF  }
0x3a: {  	(tm) =	ssettm $0x7FFFFFFF  }
0x3b: {  	_ =	shalt  }
tec
execute0_lowered:
.L_overlay_start_1:
0x0: {  	(tag) =	ssettag $0x1  }
0x1: {  	s0 =	srdreg.scid  }
0x2: {  	s1 =	sshll.u32 s0, $0x4  }
0x3: {  	s0 =	stileid.u32;
	s1 =	sand.u32 $0x10, s1  }
0x4: {  	s1 =	sor.u32 s0, s1  }
0x5: {  	s6 =	rddreg [dreg:$0x0];
	s4 =	simm.s32 $0x1;
	s2 =	sshll.u32 s1, $0x7  }
0x6: {  	s7 =	simm.s32 $0x2;
	s12 =	simm.s32 $0x0;
	s1 =	ssub.s32 $0x1000, s2  }
0x7: {  	s8 =	simm.s32 $0x8000;
	s13 =	simm.s32 $0x0;
	s3 =	sand.u32 $0xF80, s1  }
0x8: {  	s9 =	simm.s32 $0x0;
	s5 =	sshrl.u32 s1, $0xC;
	p0 =	sne.s32 s3, $0x0  }
.Ltmp0:
0x9: {  	s1 =	rddreg [dreg:$0x2];
	s4 =	simm.s32 @!p0 $0x0;
	(pc) =	sbr.rel .LBB1_1-.Ltmp0, $4  }
0xa: {  	s11 =	simm.s32 $0x0;
	s3 =	rddreg [dreg:$0x1];
	s5 =	sadd.s32 s4, s5  }
0xb: {  	_ =	strace $0x8000004A;
	s4 =	simm.s32 $0x1;
	s5 =	smul.u32 $0x32, s5  }
0xc: {  	s6 =	sadd.s32 $0xA00, s6;
	s10 =	smov.u32 s2;
	[sflag:s4] =	ssyncpa.u1 $0x0  }
0xd: {  	p0 =	por $0x0, $0x0;
	[sflag:s7] =	ssyncpa.u1 $0x0;
	s7 =	sor.u32 $0x1, s5  }
.LBB1_4:
0xe: {  	s16 =	sshll.u32 s13, $0x3;
	s17 =	sand.u32 $0x78, s13  }
0xf: {  	s30 =	sand.u32 $0x7E00, s13;
	s12 =	sshll.u32 s12, $0xF;
	s16 =	sand.u32 $0xC00, s16  }
0x10: {  	[tilespmem:s15+$0x810 ss:$0x81] =	vst.msk $0xffff, v2;
	s31 =	sand.u32 $0x7, s13;
	s16 =	sor.u32 s17, s16;
	s17 =	sadd.s32 s3, s30  }
0x11: {  	[tilespmem:s15+$0x1020 ss:$0x81] =	vst.msk $0xffff, v0;
	s13 =	sshll.u32 s31, $0x12;
	s12 =	sadd.s32 s12, s17;
	s16 =	sshrl.u32 s16, $0x3  }
0x12: {  	[tilespmem:s15+$0x0 ss:$0x81] =	vst.msk $0xffff, v1;
	s13 =	sor.u32 $0x400, s13;
	s12 =	sadd.s32 s16, s12  }
0x13: {  	[hbm4b:s12+s13] =	stream.strided.scatter [tilespmem:s14], [sflag:$0x2], $0x2000, s8, s13, $0x20;
	[tilespmem:$0x8080] =	vst v63  }
.LBB1_5:
0x14: {  	s14 =	sadd.s32 $0x1, s9  }
0x15: {  	s12 =	sadd.s32 $0x1000, s10;
	s16 =	smov.u32 s10;
	p2 =	sgt.s32 s14, $0x31  }
0x16: {  	s16 =	smov.u32 @p2 s12  }
0x17: {  	s14 =	simm.s32 @p2 $0x0;
	p2 =	sgt.s32 s16, $0xFFF  }
0x18: {  	s16 =	smov.u32 @p2 s2;
	p2 =	sne.s32 s11, s7  }
.Ltmp1:
0x19: {  	p1 =	slt.u32 s11, $0x2;
	(pc) =	sbr.rel @!p2 .LBB1_6-.Ltmp1, $4  }
0x1a: {  	s15 =	simm.s32 @!p1 $0x2  }
0x1b: {  	s13 =	smov.u32 s10;
	p0 =	por !p0, !p0;
	_ =	swait.ge @!p1 [sflag:s15], $0x2000  }
0x1c: {  	s12 =	smov.u32 s9;
	[sflag:s15] =	ssyncset.done @!p1 $0x0;
	s9 =	smov.u32 s14  }
0x1d: {  	s11 =	sadd.s32 $0x1, s11;
	[sflag:s15] =	ssyncadd.s32 @!p1 $0xFFFFE000;
	s10 =	smov.u32 s16  }
.LBB1_1:
0x1e: {  	p1 =	sge.u32 s11, s5  }
0x1f: {  	s14 =	sand.u32 @!p1 $0x1FFFFFF, s9  }
0x20: {  	s15 =	smulhi.u32 @!p1 $0x4924925, s14;
	_ =	sdelay $0x1  }
0x21: {  	s15 =	smul.u32 @!p1 $0x38, s15  }
0x22: {  	s16 =	sxor.u32 @!p1 $0xFFFFFFFF, s11;
	s17 =	smul.u32 @!p1 $0x380, s10  }
0x23: {  	s31 =	sadd.s32 $0xFFFFFFFF, s11;
	s16 =	sshll.u32 @!p1 s16, $0xD;
	s14 =	ssub.s32 @!p1 s14, s15  }
0x24: {  	s15 =	sand.u32 @!p1 $0x2000, s16;
	s16 =	sadd.s32 @!p1 s6, s17;
	s14 =	sshll.u32 @!p1 s14, $0x4  }
0x25: {  	s17 =	simm.s32 @!p1 $0x1C00;
	s14 =	sadd.s32 @!p1 s14, s16;
	s16 =	simm.s32 @!p1 $0x40  }
0x26: {  	[tilespmem:s15], [sflag:$0x1] =	stream.strided.gather @!p1 [hbm4b:s14+s16], $0x2000, s17, s16, $0x38;
	[tilespmem:$0x8080] =	vst v63  }
0x27: {  	p1 =	sge.u32 s31, s5  }
.Ltmp2:
0x28: {  	_ = 	snop;
	(pc) =	sbr.rel @p1 .LBB1_5-.Ltmp2, $1  }
0x29: {  	_ =	sdelay $0x3  }
0x2a: {  	s14 =	simm.s32 $0x1  }
0x2b: {  	_ =	swait.ge [sflag:s4], $0x2000;
	s14 =	simm.s32 @!p0 $0x0  }
0x2c: {  	[sflag:s4] =	ssyncset.done $0x0;
	s15 =	sshll.u32 s14, $0xD  }
0x2d: {  	[sflag:s4] =	ssyncadd.s32 $0xFFFFE000;
	s18 =	sor.u32 $0x20, s15  }
0x2e: {  	s14 =	smul.u32 $0x8100, s14;
	v3 =	vld [tilespmem:s18+$0x10]  }
0x2f: {  	s30 =	sand.u32 $0x1, s11;
	v2 =	vld [tilespmem:s18+$0xFFFFFFF0]  }
0x30: {  	s15 =	smul.u32 $0x8100, s30;
	s14 =	sshrl.u32 s14, $0x2;
	v0 =	vld [tilespmem:s18+$0x0]  }
0x31: {  	v1 =	vld [tilespmem:s18+$0xFFFFFFE0];
	s16 =	sor.u32 $0x4000, s14  }
0x32: {  	s31 =	sshrl.u32 s15, $0x2;
	s15 =	sadd.s32 $0x0, s16  }
0x33: {  	s17 =	simm.s32 $0x4;
	s18 =	sadd.s32 $0x40, s18;
	s14 =	sor.u32 $0x4000, s31;
	[tilespmem:s15+$0x1830 ss:$0x81] =	vst.msk $0xffff, v3  }
.LBB1_3:
0x34: {  	v3 =	vld [tilespmem:s18+$0x10];
	p1 =	sne.s32 s17, $0x1FC;
	[tilespmem:s15+$0x810 ss:$0x81] =	vst.msk $0xffff, v2;
	s19 =	smov.u32 s17;
	s17 =	sadd.s32 $0x4, s17  }
.Ltmp3:
0x35: {  	v2 =	vld [tilespmem:s18+$0xFFFFFFF0];
	[tilespmem:s15+$0x1020 ss:$0x81] =	vst.msk $0xffff, v0;
	(pc) =	sbr.rel @p1 .LBB1_3-.Ltmp3, $4  }
0x36: {  	v0 =	vld [tilespmem:s18+$0x0];
	[tilespmem:s15+$0x0 ss:$0x81] =	vst.msk $0xffff, v1  }
0x37: {  	s15 =	sshra.s32 s19, $0x2;
	v1 =	vld [tilespmem:s18+$0xFFFFFFE0]  }
0x38: {  	s15 =	sadd.s32 s15, s16  }
0x39: {  	s18 =	sadd.s32 $0x40, s18;
	[tilespmem:s15+$0x1830 ss:$0x81] =	vst.msk $0xffff, v3  }
.Ltmp4:
0x3a: {  	_ = 	snop;
	(pc) =	sbr.rel .LBB1_4-.Ltmp4, $1  }
0x3b: {  	_ =	sdelay $0x3  }
.LBB1_6:
0x3c: {  	_ =	sfence.sel $0x180000  }
0x3d: {  	s2 =	simm.s32 $0x1;
	[bflag:$0x0] =	sbarrier.arrive $0xFFFF  }
0x3e: {  	s31 =	simm.s32 $0x2;
	[sflag:s2] =	ssyncpa.u1 $0x1  }
0x3f: {  	[sflag:s31] =	ssyncpa.u1 $0x1  }
0x40: {  	p0 =	sne.s32 s0, $0x0;
	_ =	strace $0x9000004A  }
0x41: {  	s0 =	sadd.s32 @!p0 $0x100000, s1;
	[bflag:$0x2] =	sbarrier.arrive $0xFFFF  }
0x42: {  	[sflag:s0] =	ssyncadd.tile.s32 @!p0 $0x1;
	_ =	shalt  }
.Lfunc_end1:
_tile_overlayer_lowered:
.L_overlay_start_2:
0x43: {  	(tag) =	ssettag $0x2  }
0x44: {  	s0 =	rddreg [dreg:$0x0];
	s2 =	stileid.u32  }
0x45: {  	s1 =	rddreg [dreg:$0x1];
	p0 =	sne.s32 s2, $0x0  }
0x46: {  	s3 =	rddreg [dreg:$0x2];
	[bflag:$0x3] =	sbarrier.arrive $0xFFFF;
	s2 =	simm.s32 @!p0 $0x1C01  }
0x47: {  	[timem:s3], [sflag:s2] =	dma.local @!p0 [hbm:s0], s1  }
0x48: {  	s0 =	simm.s32 @!p0 $0x1  }
0x49: {  	_ =	swait.ge @!p0 [sflag:s0], s1  }
0x4a: {  	s1 =	ssub.s32 @!p0 $0x0, s1;
	[sflag:s0] =	ssyncset.done @!p0 $0x0  }
0x4b: {  	[sflag:s0] =	ssyncadd.s32 @!p0 s1  }
0x4c: {  	[bflag:$0x3] =	sbarrier.arrive $0xFFFF  }
0x4d: {  	_ =	shalt  }

</sc_bundles>
